<compile_context>
chip_gen: v7x
topology: tpu7x:2x2x1
jax: 0.10.2.dev20260603
libtpu: 0.0.44.dev20260713+nightly
codegen_flags: <defaults>
</compile_context>

<pallas_src>
import functools

import jax
import jax.numpy as jnp
from jax import lax
from jax.experimental import pallas as pl
from jax.experimental.pallas import tpu as pltpu
from jax.experimental.pallas import tpu_sc as plsc

B = 16384
D = 32
L = 16
NC = 2
NS = 16
NW = NC * NS
BPW = B // NW

_mesh = plsc.VectorSubcoreMesh(core_axis_name="c", subcore_axis_name="s")

_GATHER_DNUMS = lax.GatherDimensionNumbers(
    offset_dims=(), collapsed_slice_dims=(0,), start_index_map=(0,))


def _perm(x, idx):
    return lax.gather(
        x, idx[:, None], dimension_numbers=_GATHER_DNUMS, slice_sizes=(1,),
        mode=lax.GatherScatterMode.PROMISE_IN_BOUNDS)


@functools.partial(
    pl.kernel,
    mesh=_mesh,
    out_type=jax.ShapeDtypeStruct((B,), jnp.float32),
    compiler_params=pltpu.CompilerParams(use_tc_tiling_on_sc=False),
    scratch_types=[
        pltpu.VMEM((BPW,), jnp.int32),
        pltpu.VMEM((BPW,), jnp.int32),
        pltpu.VMEM((BPW, D), jnp.float32),
        pltpu.VMEM((BPW, D), jnp.float32),
        pltpu.VMEM((BPW,), jnp.float32),
        pltpu.SemaphoreType.DMA,
    ],
)
def _dot_lookup(uid_hbm, iid_hbm, umem_hbm, imem_hbm, out_hbm,
                idx_u, idx_i, rows_u, rows_i, out_v, sem):
    wid = lax.axis_index("s") * NC + lax.axis_index("c")
    base = wid * BPW

    pltpu.sync_copy(uid_hbm.at[pl.ds(base, BPW)], idx_u)
    pltpu.sync_copy(iid_hbm.at[pl.ds(base, BPW)], idx_i)
    cu = pltpu.async_copy(umem_hbm.at[idx_u], rows_u, sem)
    ci = pltpu.async_copy(imem_hbm.at[idx_i], rows_i, sem)
    cu.wait()
    ci.wait()

    lane = lax.iota(jnp.int32, L)
    xor_perms = {s: jnp.bitwise_xor(lane, s) for s in (8, 4, 2, 1)}
    bitrev = ((lane & 1) << 3) | ((lane & 2) << 1) | ((lane & 4) >> 1) | ((lane & 8) >> 3)

    def merge(x, y, s):
        z = jnp.where((lane & s) == 0,
                      x + _perm(x, xor_perms[s]),
                      y + _perm(y, xor_perms[s]))
        return z

    def block(bi, carry):
        vecs = []
        for j in range(L):
            r = bi * L + j
            u0 = rows_u[r, pl.ds(0, L)]
            u1 = rows_u[r, pl.ds(L, L)]
            v0 = rows_i[r, pl.ds(0, L)]
            v1 = rows_i[r, pl.ds(L, L)]
            vecs.append(u0 * v0 + u1 * v1)
        for s in (8, 4, 2, 1):
            vecs = [merge(vecs[2 * j], vecs[2 * j + 1], s)
                    for j in range(len(vecs) // 2)]
        out_v[pl.ds(bi * L, L)] = _perm(vecs[0], bitrev)
        return carry

    lax.fori_loop(0, BPW // L, block, 0)

    pltpu.sync_copy(out_v, out_hbm.at[pl.ds(base, BPW)])


def kernel(userids, itemids, user_memory, item_memory):
    uid = userids.astype(jnp.int32)
    iid = itemids.astype(jnp.int32)
    return _dot_lookup(uid, iid, user_memory, item_memory)

# --- scband reference (transcript-rebuilt; emitter-appended) ---
"""Pipeline reference for scband-matrix-factorization-model-11974368822015 (READ-ONLY COPY).

The authoritative reference and input builder live on the scoring server;
editing this copy changes nothing except your own understanding.
"""

import jax, jax.numpy as jnp
import numpy as np

USER_COUNT = 1000000
ITEM_COUNT = 1000000
EMBED_SIZE = 32
BATCH = 16384

def setup_inputs(seed: int = 0) -> dict:
    key = jax.random.key(seed)
    k1, k2, k3, k4 = jax.random.split(key, 4)
    userids = jax.random.randint(k1, (BATCH,), 0, USER_COUNT, dtype=jnp.int64) if jax.config.jax_enable_x64 else jax.random.randint(k1, (BATCH,), 0, USER_COUNT, dtype=jnp.int32)
    itemids = jax.random.randint(k2, (BATCH,), 0, ITEM_COUNT, dtype=jnp.int64) if jax.config.jax_enable_x64 else jax.random.randint(k2, (BATCH,), 0, ITEM_COUNT, dtype=jnp.int32)
    user_memory = jax.random.normal(k3, (USER_COUNT, EMBED_SIZE), dtype=jnp.float32)
    item_memory = jax.random.normal(k4, (ITEM_COUNT, EMBED_SIZE), dtype=jnp.float32)
    return {"userids": userids, "itemids": itemids, "user_memory": user_memory, "item_memory": item_memory}

def reference(userids, itemids, user_memory, item_memory):
    user_vec = jnp.take(user_memory, userids, axis=0)
    item_vec = jnp.take(item_memory, itemids, axis=0)
    pred_r = user_vec * item_vec
    return jnp.sum(pred_r, axis=1)

if __name__ == "__main__":
    import jax
    _d = setup_inputs()
    print(jax.jit(kernel)(*tuple(_d.values())))

</pallas_src>

<mosaic_0001>
#map = affine_map<(d0, d1) -> (0)>
#map1 = affine_map<(d0, d1) -> (0, 0)>
module attributes {stable_mosaic.version = 14 : i64} {
  func.func @_dot_lookup(%arg0: i32, %arg1: i32, %arg2: memref<16384xi32, #tpu.memory_space<hbm>>, %arg3: memref<16384xi32, #tpu.memory_space<hbm>>, %arg4: memref<1000000x32xf32, #tpu.memory_space<hbm>>, %arg5: memref<1000000x32xf32, #tpu.memory_space<hbm>>, %arg6: memref<16384xf32, #tpu.memory_space<hbm>>, %arg7: memref<512xi32, #tpu.memory_space<vmem>>, %arg8: memref<512xi32, #tpu.memory_space<vmem>>, %arg9: memref<512x32xf32, #tpu.memory_space<vmem>>, %arg10: memref<512x32xf32, #tpu.memory_space<vmem>>, %arg11: memref<512xf32, #tpu.memory_space<vmem>>, %arg12: memref<!tpu.dma_semaphore, #tpu.memory_space<semaphore_mem>>) attributes {dimension_semantics = [#tpu.dimension_semantics<core_parallel>, #tpu.dimension_semantics<subcore_parallel>], iteration_bounds = array<i64: 2, 16>, scalar_prefetch = 0 : i64, scratch_operands = 6 : i64, tpu.core_type = #tpu.core_type<sc_vector_subcore>, window_params = [{transform_indices = #map}, {transform_indices = #map}, {transform_indices = #map1}, {transform_indices = #map1}, {transform_indices = #map}]} {
    %mul3A = arith.constant 2 : i32
    %mul3A_0 = arith.muli %arg1, %mul3A : i32
    %add3A = arith.addi %mul3A_0, %arg0 : i32
    %mul3A_1 = arith.constant 512 : i32
    %mul3A_2 = arith.muli %add3A, %mul3A_1 : i32
    "tpu.region"() ({
      %run_scoped3A = tpu.sem_alloc : memref<!tpu.dma_semaphore, #tpu.memory_space<semaphore_mem>>
      %dma_start3A_52 = tpu.memref_slice %arg2[%mul3A_2] : memref<16384xi32, #tpu.memory_space<hbm>> -> memref<512xi32, #tpu.memory_space<hbm>>
      %dma_start3A_53 = tpu.memref_slice %arg2[%mul3A_2] : memref<16384xi32, #tpu.memory_space<hbm>> -> memref<512xi32, #tpu.memory_space<hbm>>
      tpu.enqueue_dma source(%dma_start3A_53 : memref<512xi32, #tpu.memory_space<hbm>>) target(%arg7 : memref<512xi32, #tpu.memory_space<vmem>>) target_semaphore(%run_scoped3A : memref<!tpu.dma_semaphore, #tpu.memory_space<semaphore_mem>>)
      %dma_wait3A_54 = tpu.memref_slice %arg2[%mul3A_2] : memref<16384xi32, #tpu.memory_space<hbm>> -> memref<512xi32, #tpu.memory_space<hbm>>
      %dma_wait3A_55 = tpu.memref_slice %arg2[%mul3A_2] : memref<16384xi32, #tpu.memory_space<hbm>> -> memref<512xi32, #tpu.memory_space<hbm>>
      tpu.wait_dma2 semaphore(%run_scoped3A : memref<!tpu.dma_semaphore, #tpu.memory_space<semaphore_mem>>) src(%dma_wait3A_55 : memref<512xi32, #tpu.memory_space<hbm>>) dst(%arg7 : memref<512xi32, #tpu.memory_space<vmem>>)
      tpu.yield
    }) : () -> ()
    "tpu.region"() ({
      %run_scoped3A = tpu.sem_alloc : memref<!tpu.dma_semaphore, #tpu.memory_space<semaphore_mem>>
      %dma_start3A_52 = tpu.memref_slice %arg3[%mul3A_2] : memref<16384xi32, #tpu.memory_space<hbm>> -> memref<512xi32, #tpu.memory_space<hbm>>
      %dma_start3A_53 = tpu.memref_slice %arg3[%mul3A_2] : memref<16384xi32, #tpu.memory_space<hbm>> -> memref<512xi32, #tpu.memory_space<hbm>>
      tpu.enqueue_dma source(%dma_start3A_53 : memref<512xi32, #tpu.memory_space<hbm>>) target(%arg8 : memref<512xi32, #tpu.memory_space<vmem>>) target_semaphore(%run_scoped3A : memref<!tpu.dma_semaphore, #tpu.memory_space<semaphore_mem>>)
      %dma_wait3A_54 = tpu.memref_slice %arg3[%mul3A_2] : memref<16384xi32, #tpu.memory_space<hbm>> -> memref<512xi32, #tpu.memory_space<hbm>>
      %dma_wait3A_55 = tpu.memref_slice %arg3[%mul3A_2] : memref<16384xi32, #tpu.memory_space<hbm>> -> memref<512xi32, #tpu.memory_space<hbm>>
      tpu.wait_dma2 semaphore(%run_scoped3A : memref<!tpu.dma_semaphore, #tpu.memory_space<semaphore_mem>>) src(%dma_wait3A_55 : memref<512xi32, #tpu.memory_space<hbm>>) dst(%arg8 : memref<512xi32, #tpu.memory_space<vmem>>)
      tpu.yield
    }) : () -> ()
    %dma_start3A = arith.constant 0 : i32
    %dma_start3A_3 = arith.constant 0 : i32
    %dma_start3A_4 = tpu.memref_slice %arg4[%dma_start3A, %dma_start3A_3] : memref<1000000x32xf32, #tpu.memory_space<hbm>> -> memref<1000000x32xf32, #tpu.memory_space<hbm>>
    tpu.enqueue_indirect_dma source(%dma_start3A_4 : memref<1000000x32xf32, #tpu.memory_space<hbm>>) target(%arg9 : memref<512x32xf32, #tpu.memory_space<vmem>>) offsets(%arg7 : memref<512xi32, #tpu.memory_space<vmem>>) semaphore(%arg12 : memref<!tpu.dma_semaphore, #tpu.memory_space<semaphore_mem>>)
    %dma_start3A_5 = arith.constant 0 : i32
    %dma_start3A_6 = arith.constant 0 : i32
    %dma_start3A_7 = tpu.memref_slice %arg5[%dma_start3A_5, %dma_start3A_6] : memref<1000000x32xf32, #tpu.memory_space<hbm>> -> memref<1000000x32xf32, #tpu.memory_space<hbm>>
    tpu.enqueue_indirect_dma source(%dma_start3A_7 : memref<1000000x32xf32, #tpu.memory_space<hbm>>) target(%arg10 : memref<512x32xf32, #tpu.memory_space<vmem>>) offsets(%arg8 : memref<512xi32, #tpu.memory_space<vmem>>) semaphore(%arg12 : memref<!tpu.dma_semaphore, #tpu.memory_space<semaphore_mem>>)
    %dma_wait3A = arith.constant 0 : i32
    %dma_wait3A_8 = arith.constant 0 : i32
    %dma_wait3A_9 = tpu.memref_slice %arg4[%dma_wait3A, %dma_wait3A_8] : memref<1000000x32xf32, #tpu.memory_space<hbm>> -> memref<1000000x32xf32, #tpu.memory_space<hbm>>
    tpu.wait_indirect_dma semaphore(%arg12 : memref<!tpu.dma_semaphore, #tpu.memory_space<semaphore_mem>>) src(%dma_wait3A_9 : memref<1000000x32xf32, #tpu.memory_space<hbm>>) dst(%arg9 : memref<512x32xf32, #tpu.memory_space<vmem>>)
    %dma_wait3A_10 = arith.constant 0 : i32
    %dma_wait3A_11 = arith.constant 0 : i32
    %dma_wait3A_12 = tpu.memref_slice %arg5[%dma_wait3A_10, %dma_wait3A_11] : memref<1000000x32xf32, #tpu.memory_space<hbm>> -> memref<1000000x32xf32, #tpu.memory_space<hbm>>
    tpu.wait_indirect_dma semaphore(%arg12 : memref<!tpu.dma_semaphore, #tpu.memory_space<semaphore_mem>>) src(%dma_wait3A_12 : memref<1000000x32xf32, #tpu.memory_space<hbm>>) dst(%arg10 : memref<512x32xf32, #tpu.memory_space<vmem>>)
    %iota3A = tpu.iota {dimensions = array<i32: 0>} : vector<16xi32>
    %xor3A = arith.constant 8 : i32
    %xor3A_13 = vector.broadcast %xor3A : i32 to vector<16xi32>
    %xor3A_14 = arith.xori %iota3A, %xor3A_13 : vector<16xi32>
    %xor3A_15 = arith.constant 4 : i32
    %xor3A_16 = vector.broadcast %xor3A_15 : i32 to vector<16xi32>
    %xor3A_17 = arith.xori %iota3A, %xor3A_16 : vector<16xi32>
    %xor3A_18 = arith.constant 2 : i32
    %xor3A_19 = vector.broadcast %xor3A_18 : i32 to vector<16xi32>
    %xor3A_20 = arith.xori %iota3A, %xor3A_19 : vector<16xi32>
    %xor3A_21 = arith.constant 1 : i32
    %xor3A_22 = vector.broadcast %xor3A_21 : i32 to vector<16xi32>
    %xor3A_23 = arith.xori %iota3A, %xor3A_22 : vector<16xi32>
    %and3A = arith.constant 1 : i32
    %and3A_24 = vector.broadcast %and3A : i32 to vector<16xi32>
    %and3A_25 = arith.andi %iota3A, %and3A_24 : vector<16xi32>
    %shift_left3A = arith.constant 3 : i32
    %shift_left3A_26 = vector.broadcast %shift_left3A : i32 to vector<16xi32>
    %shift_left3A_27 = arith.shli %and3A_25, %shift_left3A_26 : vector<16xi32>
    %and3A_28 = arith.constant 2 : i32
    %and3A_29 = vector.broadcast %and3A_28 : i32 to vector<16xi32>
    %and3A_30 = arith.andi %iota3A, %and3A_29 : vector<16xi32>
    %shift_left3A_31 = arith.constant 1 : i32
    %shift_left3A_32 = vector.broadcast %shift_left3A_31 : i32 to vector<16xi32>
    %shift_left3A_33 = arith.shli %and3A_30, %shift_left3A_32 : vector<16xi32>
    %or3A = arith.ori %shift_left3A_27, %shift_left3A_33 : vector<16xi32>
    %and3A_34 = arith.constant 4 : i32
    %and3A_35 = vector.broadcast %and3A_34 : i32 to vector<16xi32>
    %and3A_36 = arith.andi %iota3A, %and3A_35 : vector<16xi32>
    %shift_right_arithmetic3A = arith.constant 1 : i32
    %shift_right_arithmetic3A_37 = vector.broadcast %shift_right_arithmetic3A : i32 to vector<16xi32>
    %shift_right_arithmetic3A_38 = arith.shrsi %and3A_36, %shift_right_arithmetic3A_37 : vector<16xi32>
    %or3A_39 = arith.ori %or3A, %shift_right_arithmetic3A_38 : vector<16xi32>
    %and3A_40 = arith.constant 8 : i32
    %and3A_41 = vector.broadcast %and3A_40 : i32 to vector<16xi32>
    %and3A_42 = arith.andi %iota3A, %and3A_41 : vector<16xi32>
    %shift_right_arithmetic3A_43 = arith.constant 3 : i32
    %shift_right_arithmetic3A_44 = vector.broadcast %shift_right_arithmetic3A_43 : i32 to vector<16xi32>
    %shift_right_arithmetic3A_45 = arith.shrsi %and3A_42, %shift_right_arithmetic3A_44 : vector<16xi32>
    %or3A_46 = arith.ori %or3A_39, %shift_right_arithmetic3A_45 : vector<16xi32>
    %scan3A = arith.constant 0 : i32
    %scan3A_47 = arith.constant 0 : i32
    %scan3A_48 = arith.constant 32 : i32
    %scan3A_49 = arith.addi %scan3A_47, %scan3A_48 : i32
    %scan3A_50 = arith.constant 1 : i32
    scf.for %scan3A_52 = %scan3A_47 to %scan3A_49 step %scan3A_50  : i32 {
      %mul3A_53 = arith.constant 16 : i32
      %mul3A_54 = arith.muli %scan3A_52, %mul3A_53 : i32
      %add3A_55 = arith.constant 0 : i32
      %add3A_56 = arith.addi %mul3A_54, %add3A_55 : i32
      %get3A = arith.index_cast %add3A_56 : i32 to index
      %get3A_57 = arith.constant 0 : index
      %get3A_58 = tpu.vector_load %arg9[%get3A, %get3A_57] {strides = array<i32>} : memref<512x32xf32, #tpu.memory_space<vmem>>, vector<1x16xf32>,
      %get3A_59 = vector.shape_cast %get3A_58 : vector<1x16xf32> to vector<16xf32>
      %get3A_60 = arith.index_cast %add3A_56 : i32 to index
      %get3A_61 = arith.constant 16 : index
      %get3A_62 = tpu.vector_load %arg9[%get3A_60, %get3A_61] {strides = array<i32>} : memref<512x32xf32, #tpu.memory_space<vmem>>, vector<1x16xf32>,
      %get3A_63 = vector.shape_cast %get3A_62 : vector<1x16xf32> to vector<16xf32>
      %get3A_64 = arith.index_cast %add3A_56 : i32 to index
      %get3A_65 = arith.constant 0 : index
      %get3A_66 = tpu.vector_load %arg10[%get3A_64, %get3A_65] {strides = array<i32>} : memref<512x32xf32, #tpu.memory_space<vmem>>, vector<1x16xf32>,
      %get3A_67 = vector.shape_cast %get3A_66 : vector<1x16xf32> to vector<16xf32>
      %get3A_68 = arith.index_cast %add3A_56 : i32 to index
      %get3A_69 = arith.constant 16 : index
      %get3A_70 = tpu.vector_load %arg10[%get3A_68, %get3A_69] {strides = array<i32>} : memref<512x32xf32, #tpu.memory_space<vmem>>, vector<1x16xf32>,
      %get3A_71 = vector.shape_cast %get3A_70 : vector<1x16xf32> to vector<16xf32>
      %mul3A_72 = arith.mulf %get3A_59, %get3A_67 : vector<16xf32>
      %mul3A_73 = arith.mulf %get3A_63, %get3A_71 : vector<16xf32>
      %add3A_74 = arith.addf %mul3A_72, %mul3A_73 : vector<16xf32>
      %mul3A_75 = arith.constant 16 : i32
      %mul3A_76 = arith.muli %scan3A_52, %mul3A_75 : i32
      %add3A_77 = arith.constant 1 : i32
      %add3A_78 = arith.addi %mul3A_76, %add3A_77 : i32
      %get3A_79 = arith.index_cast %add3A_78 : i32 to index
      %get3A_80 = arith.constant 0 : index
      %get3A_81 = tpu.vector_load %arg9[%get3A_79, %get3A_80] {strides = array<i32>} : memref<512x32xf32, #tpu.memory_space<vmem>>, vector<1x16xf32>,
      %get3A_82 = vector.shape_cast %get3A_81 : vector<1x16xf32> to vector<16xf32>
      %get3A_83 = arith.index_cast %add3A_78 : i32 to index
      %get3A_84 = arith.constant 16 : index
      %get3A_85 = tpu.vector_load %arg9[%get3A_83, %get3A_84] {strides = array<i32>} : memref<512x32xf32, #tpu.memory_space<vmem>>, vector<1x16xf32>,
      %get3A_86 = vector.shape_cast %get3A_85 : vector<1x16xf32> to vector<16xf32>
      %get3A_87 = arith.index_cast %add3A_78 : i32 to index
      %get3A_88 = arith.constant 0 : index
      %get3A_89 = tpu.vector_load %arg10[%get3A_87, %get3A_88] {strides = array<i32>} : memref<512x32xf32, #tpu.memory_space<vmem>>, vector<1x16xf32>,
      %get3A_90 = vector.shape_cast %get3A_89 : vector<1x16xf32> to vector<16xf32>
      %get3A_91 = arith.index_cast %add3A_78 : i32 to index
      %get3A_92 = arith.constant 16 : index
      %get3A_93 = tpu.vector_load %arg10[%get3A_91, %get3A_92] {strides = array<i32>} : memref<512x32xf32, #tpu.memory_space<vmem>>, vector<1x16xf32>,
      %get3A_94 = vector.shape_cast %get3A_93 : vector<1x16xf32> to vector<16xf32>
      %mul3A_95 = arith.mulf %get3A_82, %get3A_90 : vector<16xf32>
      %mul3A_96 = arith.mulf %get3A_86, %get3A_94 : vector<16xf32>
      %add3A_97 = arith.addf %mul3A_95, %mul3A_96 : vector<16xf32>
      %mul3A_98 = arith.constant 16 : i32
      %mul3A_99 = arith.muli %scan3A_52, %mul3A_98 : i32
      %add3A_100 = arith.constant 2 : i32
      %add3A_101 = arith.addi %mul3A_99, %add3A_100 : i32
      %get3A_102 = arith.index_cast %add3A_101 : i32 to index
      %get3A_103 = arith.constant 0 : index
      %get3A_104 = tpu.vector_load %arg9[%get3A_102, %get3A_103] {strides = array<i32>} : memref<512x32xf32, #tpu.memory_space<vmem>>, vector<1x16xf32>,
      %get3A_105 = vector.shape_cast %get3A_104 : vector<1x16xf32> to vector<16xf32>
      %get3A_106 = arith.index_cast %add3A_101 : i32 to index
      %get3A_107 = arith.constant 16 : index
      %get3A_108 = tpu.vector_load %arg9[%get3A_106, %get3A_107] {strides = array<i32>} : memref<512x32xf32, #tpu.memory_space<vmem>>, vector<1x16xf32>,
      %get3A_109 = vector.shape_cast %get3A_108 : vector<1x16xf32> to vector<16xf32>
      %get3A_110 = arith.index_cast %add3A_101 : i32 to index
      %get3A_111 = arith.constant 0 : index
      %get3A_112 = tpu.vector_load %arg10[%get3A_110, %get3A_111] {strides = array<i32>} : memref<512x32xf32, #tpu.memory_space<vmem>>, vector<1x16xf32>,
      %get3A_113 = vector.shape_cast %get3A_112 : vector<1x16xf32> to vector<16xf32>
      %get3A_114 = arith.index_cast %add3A_101 : i32 to index
      %get3A_115 = arith.constant 16 : index
      %get3A_116 = tpu.vector_load %arg10[%get3A_114, %get3A_115] {strides = array<i32>} : memref<512x32xf32, #tpu.memory_space<vmem>>, vector<1x16xf32>,
      %get3A_117 = vector.shape_cast %get3A_116 : vector<1x16xf32> to vector<16xf32>
      %mul3A_118 = arith.mulf %get3A_105, %get3A_113 : vector<16xf32>
      %mul3A_119 = arith.mulf %get3A_109, %get3A_117 : vector<16xf32>
      %add3A_120 = arith.addf %mul3A_118, %mul3A_119 : vector<16xf32>
      %mul3A_121 = arith.constant 16 : i32
      %mul3A_122 = arith.muli %scan3A_52, %mul3A_121 : i32
      %add3A_123 = arith.constant 3 : i32
      %add3A_124 = arith.addi %mul3A_122, %add3A_123 : i32
      %get3A_125 = arith.index_cast %add3A_124 : i32 to index
      %get3A_126 = arith.constant 0 : index
      %get3A_127 = tpu.vector_load %arg9[%get3A_125, %get3A_126] {strides = array<i32>} : memref<512x32xf32, #tpu.memory_space<vmem>>, vector<1x16xf32>,
      %get3A_128 = vector.shape_cast %get3A_127 : vector<1x16xf32> to vector<16xf32>
      %get3A_129 = arith.index_cast %add3A_124 : i32 to index
      %get3A_130 = arith.constant 16 : index
      %get3A_131 = tpu.vector_load %arg9[%get3A_129, %get3A_130] {strides = array<i32>} : memref<512x32xf32, #tpu.memory_space<vmem>>, vector<1x16xf32>,
      %get3A_132 = vector.shape_cast %get3A_131 : vector<1x16xf32> to vector<16xf32>
      %get3A_133 = arith.index_cast %add3A_124 : i32 to index
      %get3A_134 = arith.constant 0 : index
      %get3A_135 = tpu.vector_load %arg10[%get3A_133, %get3A_134] {strides = array<i32>} : memref<512x32xf32, #tpu.memory_space<vmem>>, vector<1x16xf32>,
      %get3A_136 = vector.shape_cast %get3A_135 : vector<1x16xf32> to vector<16xf32>
      %get3A_137 = arith.index_cast %add3A_124 : i32 to index
      %get3A_138 = arith.constant 16 : index
      %get3A_139 = tpu.vector_load %arg10[%get3A_137, %get3A_138] {strides = array<i32>} : memref<512x32xf32, #tpu.memory_space<vmem>>, vector<1x16xf32>,
      %get3A_140 = vector.shape_cast %get3A_139 : vector<1x16xf32> to vector<16xf32>
      %mul3A_141 = arith.mulf %get3A_128, %get3A_136 : vector<16xf32>
      %mul3A_142 = arith.mulf %get3A_132, %get3A_140 : vector<16xf32>
      %add3A_143 = arith.addf %mul3A_141, %mul3A_142 : vector<16xf32>
      %mul3A_144 = arith.constant 16 : i32
      %mul3A_145 = arith.muli %scan3A_52, %mul3A_144 : i32
      %add3A_146 = arith.constant 4 : i32
      %add3A_147 = arith.addi %mul3A_145, %add3A_146 : i32
      %get3A_148 = arith.index_cast %add3A_147 : i32 to index
      %get3A_149 = arith.constant 0 : index
      %get3A_150 = tpu.vector_load %arg9[%get3A_148, %get3A_149] {strides = array<i32>} : memref<512x32xf32, #tpu.memory_space<vmem>>, vector<1x16xf32>,
      %get3A_151 = vector.shape_cast %get3A_150 : vector<1x16xf32> to vector<16xf32>
      %get3A_152 = arith.index_cast %add3A_147 : i32 to index
      %get3A_153 = arith.constant 16 : index
      %get3A_154 = tpu.vector_load %arg9[%get3A_152, %get3A_153] {strides = array<i32>} : memref<512x32xf32, #tpu.memory_space<vmem>>, vector<1x16xf32>,
      %get3A_155 = vector.shape_cast %get3A_154 : vector<1x16xf32> to vector<16xf32>
      %get3A_156 = arith.index_cast %add3A_147 : i32 to index
      %get3A_157 = arith.constant 0 : index
      %get3A_158 = tpu.vector_load %arg10[%get3A_156, %get3A_157] {strides = array<i32>} : memref<512x32xf32, #tpu.memory_space<vmem>>, vector<1x16xf32>,
      %get3A_159 = vector.shape_cast %get3A_158 : vector<1x16xf32> to vector<16xf32>
      %get3A_160 = arith.index_cast %add3A_147 : i32 to index
      %get3A_161 = arith.constant 16 : index
      %get3A_162 = tpu.vector_load %arg10[%get3A_160, %get3A_161] {strides = array<i32>} : memref<512x32xf32, #tpu.memory_space<vmem>>, vector<1x16xf32>,
      %get3A_163 = vector.shape_cast %get3A_162 : vector<1x16xf32> to vector<16xf32>
      %mul3A_164 = arith.mulf %get3A_151, %get3A_159 : vector<16xf32>
      %mul3A_165 = arith.mulf %get3A_155, %get3A_163 : vector<16xf32>
      %add3A_166 = arith.addf %mul3A_164, %mul3A_165 : vector<16xf32>
      %mul3A_167 = arith.constant 16 : i32
      %mul3A_168 = arith.muli %scan3A_52, %mul3A_167 : i32
      %add3A_169 = arith.constant 5 : i32
      %add3A_170 = arith.addi %mul3A_168, %add3A_169 : i32
      %get3A_171 = arith.index_cast %add3A_170 : i32 to index
      %get3A_172 = arith.constant 0 : index
      %get3A_173 = tpu.vector_load %arg9[%get3A_171, %get3A_172] {strides = array<i32>} : memref<512x32xf32, #tpu.memory_space<vmem>>, vector<1x16xf32>,
      %get3A_174 = vector.shape_cast %get3A_173 : vector<1x16xf32> to vector<16xf32>
      %get3A_175 = arith.index_cast %add3A_170 : i32 to index
      %get3A_176 = arith.constant 16 : index
      %get3A_177 = tpu.vector_load %arg9[%get3A_175, %get3A_176] {strides = array<i32>} : memref<512x32xf32, #tpu.memory_space<vmem>>, vector<1x16xf32>,
      %get3A_178 = vector.shape_cast %get3A_177 : vector<1x16xf32> to vector<16xf32>
      %get3A_179 = arith.index_cast %add3A_170 : i32 to index
      %get3A_180 = arith.constant 0 : index
      %get3A_181 = tpu.vector_load %arg10[%get3A_179, %get3A_180] {strides = array<i32>} : memref<512x32xf32, #tpu.memory_space<vmem>>, vector<1x16xf32>,
      %get3A_182 = vector.shape_cast %get3A_181 : vector<1x16xf32> to vector<16xf32>
      %get3A_183 = arith.index_cast %add3A_170 : i32 to index
      %get3A_184 = arith.constant 16 : index
      %get3A_185 = tpu.vector_load %arg10[%get3A_183, %get3A_184] {strides = array<i32>} : memref<512x32xf32, #tpu.memory_space<vmem>>, vector<1x16xf32>,
      %get3A_186 = vector.shape_cast %get3A_185 : vector<1x16xf32> to vector<16xf32>
      %mul3A_187 = arith.mulf %get3A_174, %get3A_182 : vector<16xf32>
      %mul3A_188 = arith.mulf %get3A_178, %get3A_186 : vector<16xf32>
      %add3A_189 = arith.addf %mul3A_187, %mul3A_188 : vector<16xf32>
      %mul3A_190 = arith.constant 16 : i32
      %mul3A_191 = arith.muli %scan3A_52, %mul3A_190 : i32
      %add3A_192 = arith.constant 6 : i32
      %add3A_193 = arith.addi %mul3A_191, %add3A_192 : i32
      %get3A_194 = arith.index_cast %add3A_193 : i32 to index
      %get3A_195 = arith.constant 0 : index
      %get3A_196 = tpu.vector_load %arg9[%get3A_194, %get3A_195] {strides = array<i32>} : memref<512x32xf32, #tpu.memory_space<vmem>>, vector<1x16xf32>,
      %get3A_197 = vector.shape_cast %get3A_196 : vector<1x16xf32> to vector<16xf32>
      %get3A_198 = arith.index_cast %add3A_193 : i32 to index
      %get3A_199 = arith.constant 16 : index
      %get3A_200 = tpu.vector_load %arg9[%get3A_198, %get3A_199] {strides = array<i32>} : memref<512x32xf32, #tpu.memory_space<vmem>>, vector<1x16xf32>,
      %get3A_201 = vector.shape_cast %get3A_200 : vector<1x16xf32> to vector<16xf32>
      %get3A_202 = arith.index_cast %add3A_193 : i32 to index
      %get3A_203 = arith.constant 0 : index
      %get3A_204 = tpu.vector_load %arg10[%get3A_202, %get3A_203] {strides = array<i32>} : memref<512x32xf32, #tpu.memory_space<vmem>>, vector<1x16xf32>,
      %get3A_205 = vector.shape_cast %get3A_204 : vector<1x16xf32> to vector<16xf32>
      %get3A_206 = arith.index_cast %add3A_193 : i32 to index
      %get3A_207 = arith.constant 16 : index
      %get3A_208 = tpu.vector_load %arg10[%get3A_206, %get3A_207] {strides = array<i32>} : memref<512x32xf32, #tpu.memory_space<vmem>>, vector<1x16xf32>,
      %get3A_209 = vector.shape_cast %get3A_208 : vector<1x16xf32> to vector<16xf32>
      %mul3A_210 = arith.mulf %get3A_197, %get3A_205 : vector<16xf32>
      %mul3A_211 = arith.mulf %get3A_201, %get3A_209 : vector<16xf32>
      %add3A_212 = arith.addf %mul3A_210, %mul3A_211 : vector<16xf32>
      %mul3A_213 = arith.constant 16 : i32
      %mul3A_214 = arith.muli %scan3A_52, %mul3A_213 : i32
      %add3A_215 = arith.constant 7 : i32
      %add3A_216 = arith.addi %mul3A_214, %add3A_215 : i32
      %get3A_217 = arith.index_cast %add3A_216 : i32 to index
      %get3A_218 = arith.constant 0 : index
      %get3A_219 = tpu.vector_load %arg9[%get3A_217, %get3A_218] {strides = array<i32>} : memref<512x32xf32, #tpu.memory_space<vmem>>, vector<1x16xf32>,
      %get3A_220 = vector.shape_cast %get3A_219 : vector<1x16xf32> to vector<16xf32>
      %get3A_221 = arith.index_cast %add3A_216 : i32 to index
      %get3A_222 = arith.constant 16 : index
      %get3A_223 = tpu.vector_load %arg9[%get3A_221, %get3A_222] {strides = array<i32>} : memref<512x32xf32, #tpu.memory_space<vmem>>, vector<1x16xf32>,
      %get3A_224 = vector.shape_cast %get3A_223 : vector<1x16xf32> to vector<16xf32>
      %get3A_225 = arith.index_cast %add3A_216 : i32 to index
      %get3A_226 = arith.constant 0 : index
      %get3A_227 = tpu.vector_load %arg10[%get3A_225, %get3A_226] {strides = array<i32>} : memref<512x32xf32, #tpu.memory_space<vmem>>, vector<1x16xf32>,
      %get3A_228 = vector.shape_cast %get3A_227 : vector<1x16xf32> to vector<16xf32>
      %get3A_229 = arith.index_cast %add3A_216 : i32 to index
      %get3A_230 = arith.constant 16 : index
      %get3A_231 = tpu.vector_load %arg10[%get3A_229, %get3A_230] {strides = array<i32>} : memref<512x32xf32, #tpu.memory_space<vmem>>, vector<1x16xf32>,
      %get3A_232 = vector.shape_cast %get3A_231 : vector<1x16xf32> to vector<16xf32>
      %mul3A_233 = arith.mulf %get3A_220, %get3A_228 : vector<16xf32>
      %mul3A_234 = arith.mulf %get3A_224, %get3A_232 : vector<16xf32>
      %add3A_235 = arith.addf %mul3A_233, %mul3A_234 : vector<16xf32>
      %mul3A_236 = arith.constant 16 : i32
      %mul3A_237 = arith.muli %scan3A_52, %mul3A_236 : i32
      %add3A_238 = arith.constant 8 : i32
      %add3A_239 = arith.addi %mul3A_237, %add3A_238 : i32
      %get3A_240 = arith.index_cast %add3A_239 : i32 to index
      %get3A_241 = arith.constant 0 : index
      %get3A_242 = tpu.vector_load %arg9[%get3A_240, %get3A_241] {strides = array<i32>} : memref<512x32xf32, #tpu.memory_space<vmem>>, vector<1x16xf32>,
      %get3A_243 = vector.shape_cast %get3A_242 : vector<1x16xf32> to vector<16xf32>
      %get3A_244 = arith.index_cast %add3A_239 : i32 to index
      %get3A_245 = arith.constant 16 : index
      %get3A_246 = tpu.vector_load %arg9[%get3A_244, %get3A_245] {strides = array<i32>} : memref<512x32xf32, #tpu.memory_space<vmem>>, vector<1x16xf32>,
      %get3A_247 = vector.shape_cast %get3A_246 : vector<1x16xf32> to vector<16xf32>
      %get3A_248 = arith.index_cast %add3A_239 : i32 to index
      %get3A_249 = arith.constant 0 : index
      %get3A_250 = tpu.vector_load %arg10[%get3A_248, %get3A_249] {strides = array<i32>} : memref<512x32xf32, #tpu.memory_space<vmem>>, vector<1x16xf32>,
      %get3A_251 = vector.shape_cast %get3A_250 : vector<1x16xf32> to vector<16xf32>
      %get3A_252 = arith.index_cast %add3A_239 : i32 to index
      %get3A_253 = arith.constant 16 : index
      %get3A_254 = tpu.vector_load %arg10[%get3A_252, %get3A_253] {strides = array<i32>} : memref<512x32xf32, #tpu.memory_space<vmem>>, vector<1x16xf32>,
      %get3A_255 = vector.shape_cast %get3A_254 : vector<1x16xf32> to vector<16xf32>
      %mul3A_256 = arith.mulf %get3A_243, %get3A_251 : vector<16xf32>
      %mul3A_257 = arith.mulf %get3A_247, %get3A_255 : vector<16xf32>
      %add3A_258 = arith.addf %mul3A_256, %mul3A_257 : vector<16xf32>
      %mul3A_259 = arith.constant 16 : i32
      %mul3A_260 = arith.muli %scan3A_52, %mul3A_259 : i32
      %add3A_261 = arith.constant 9 : i32
      %add3A_262 = arith.addi %mul3A_260, %add3A_261 : i32
      %get3A_263 = arith.index_cast %add3A_262 : i32 to index
      %get3A_264 = arith.constant 0 : index
      %get3A_265 = tpu.vector_load %arg9[%get3A_263, %get3A_264] {strides = array<i32>} : memref<512x32xf32, #tpu.memory_space<vmem>>, vector<1x16xf32>,
      %get3A_266 = vector.shape_cast %get3A_265 : vector<1x16xf32> to vector<16xf32>
      %get3A_267 = arith.index_cast %add3A_262 : i32 to index
      %get3A_268 = arith.constant 16 : index
      %get3A_269 = tpu.vector_load %arg9[%get3A_267, %get3A_268] {strides = array<i32>} : memref<512x32xf32, #tpu.memory_space<vmem>>, vector<1x16xf32>,
      %get3A_270 = vector.shape_cast %get3A_269 : vector<1x16xf32> to vector<16xf32>
      %get3A_271 = arith.index_cast %add3A_262 : i32 to index
      %get3A_272 = arith.constant 0 : index
      %get3A_273 = tpu.vector_load %arg10[%get3A_271, %get3A_272] {strides = array<i32>} : memref<512x32xf32, #tpu.memory_space<vmem>>, vector<1x16xf32>,
      %get3A_274 = vector.shape_cast %get3A_273 : vector<1x16xf32> to vector<16xf32>
      %get3A_275 = arith.index_cast %add3A_262 : i32 to index
      %get3A_276 = arith.constant 16 : index
      %get3A_277 = tpu.vector_load %arg10[%get3A_275, %get3A_276] {strides = array<i32>} : memref<512x32xf32, #tpu.memory_space<vmem>>, vector<1x16xf32>,
      %get3A_278 = vector.shape_cast %get3A_277 : vector<1x16xf32> to vector<16xf32>
      %mul3A_279 = arith.mulf %get3A_266, %get3A_274 : vector<16xf32>
      %mul3A_280 = arith.mulf %get3A_270, %get3A_278 : vector<16xf32>
      %add3A_281 = arith.addf %mul3A_279, %mul3A_280 : vector<16xf32>
      %mul3A_282 = arith.constant 16 : i32
      %mul3A_283 = arith.muli %scan3A_52, %mul3A_282 : i32
      %add3A_284 = arith.constant 10 : i32
      %add3A_285 = arith.addi %mul3A_283, %add3A_284 : i32
      %get3A_286 = arith.index_cast %add3A_285 : i32 to index
      %get3A_287 = arith.constant 0 : index
      %get3A_288 = tpu.vector_load %arg9[%get3A_286, %get3A_287] {strides = array<i32>} : memref<512x32xf32, #tpu.memory_space<vmem>>, vector<1x16xf32>,
      %get3A_289 = vector.shape_cast %get3A_288 : vector<1x16xf32> to vector<16xf32>
      %get3A_290 = arith.index_cast %add3A_285 : i32 to index
      %get3A_291 = arith.constant 16 : index
      %get3A_292 = tpu.vector_load %arg9[%get3A_290, %get3A_291] {strides = array<i32>} : memref<512x32xf32, #tpu.memory_space<vmem>>, vector<1x16xf32>,
      %get3A_293 = vector.shape_cast %get3A_292 : vector<1x16xf32> to vector<16xf32>
      %get3A_294 = arith.index_cast %add3A_285 : i32 to index
      %get3A_295 = arith.constant 0 : index
      %get3A_296 = tpu.vector_load %arg10[%get3A_294, %get3A_295] {strides = array<i32>} : memref<512x32xf32, #tpu.memory_space<vmem>>, vector<1x16xf32>,
      %get3A_297 = vector.shape_cast %get3A_296 : vector<1x16xf32> to vector<16xf32>
      %get3A_298 = arith.index_cast %add3A_285 : i32 to index
      %get3A_299 = arith.constant 16 : index
      %get3A_300 = tpu.vector_load %arg10[%get3A_298, %get3A_299] {strides = array<i32>} : memref<512x32xf32, #tpu.memory_space<vmem>>, vector<1x16xf32>,
      %get3A_301 = vector.shape_cast %get3A_300 : vector<1x16xf32> to vector<16xf32>
      %mul3A_302 = arith.mulf %get3A_289, %get3A_297 : vector<16xf32>
      %mul3A_303 = arith.mulf %get3A_293, %get3A_301 : vector<16xf32>
      %add3A_304 = arith.addf %mul3A_302, %mul3A_303 : vector<16xf32>
      %mul3A_305 = arith.constant 16 : i32
      %mul3A_306 = arith.muli %scan3A_52, %mul3A_305 : i32
      %add3A_307 = arith.constant 11 : i32
      %add3A_308 = arith.addi %mul3A_306, %add3A_307 : i32
      %get3A_309 = arith.index_cast %add3A_308 : i32 to index
      %get3A_310 = arith.constant 0 : index
      %get3A_311 = tpu.vector_load %arg9[%get3A_309, %get3A_310] {strides = array<i32>} : memref<512x32xf32, #tpu.memory_space<vmem>>, vector<1x16xf32>,
      %get3A_312 = vector.shape_cast %get3A_311 : vector<1x16xf32> to vector<16xf32>
      %get3A_313 = arith.index_cast %add3A_308 : i32 to index
      %get3A_314 = arith.constant 16 : index
      %get3A_315 = tpu.vector_load %arg9[%get3A_313, %get3A_314] {strides = array<i32>} : memref<512x32xf32, #tpu.memory_space<vmem>>, vector<1x16xf32>,
      %get3A_316 = vector.shape_cast %get3A_315 : vector<1x16xf32> to vector<16xf32>
      %get3A_317 = arith.index_cast %add3A_308 : i32 to index
      %get3A_318 = arith.constant 0 : index
      %get3A_319 = tpu.vector_load %arg10[%get3A_317, %get3A_318] {strides = array<i32>} : memref<512x32xf32, #tpu.memory_space<vmem>>, vector<1x16xf32>,
      %get3A_320 = vector.shape_cast %get3A_319 : vector<1x16xf32> to vector<16xf32>
      %get3A_321 = arith.index_cast %add3A_308 : i32 to index
      %get3A_322 = arith.constant 16 : index
      %get3A_323 = tpu.vector_load %arg10[%get3A_321, %get3A_322] {strides = array<i32>} : memref<512x32xf32, #tpu.memory_space<vmem>>, vector<1x16xf32>,
      %get3A_324 = vector.shape_cast %get3A_323 : vector<1x16xf32> to vector<16xf32>
      %mul3A_325 = arith.mulf %get3A_312, %get3A_320 : vector<16xf32>
      %mul3A_326 = arith.mulf %get3A_316, %get3A_324 : vector<16xf32>
      %add3A_327 = arith.addf %mul3A_325, %mul3A_326 : vector<16xf32>
      %mul3A_328 = arith.constant 16 : i32
      %mul3A_329 = arith.muli %scan3A_52, %mul3A_328 : i32
      %add3A_330 = arith.constant 12 : i32
      %add3A_331 = arith.addi %mul3A_329, %add3A_330 : i32
      %get3A_332 = arith.index_cast %add3A_331 : i32 to index
      %get3A_333 = arith.constant 0 : index
      %get3A_334 = tpu.vector_load %arg9[%get3A_332, %get3A_333] {strides = array<i32>} : memref<512x32xf32, #tpu.memory_space<vmem>>, vector<1x16xf32>,
      %get3A_335 = vector.shape_cast %get3A_334 : vector<1x16xf32> to vector<16xf32>
      %get3A_336 = arith.index_cast %add3A_331 : i32 to index
      %get3A_337 = arith.constant 16 : index
      %get3A_338 = tpu.vector_load %arg9[%get3A_336, %get3A_337] {strides = array<i32>} : memref<512x32xf32, #tpu.memory_space<vmem>>, vector<1x16xf32>,
      %get3A_339 = vector.shape_cast %get3A_338 : vector<1x16xf32> to vector<16xf32>
      %get3A_340 = arith.index_cast %add3A_331 : i32 to index
      %get3A_341 = arith.constant 0 : index
      %get3A_342 = tpu.vector_load %arg10[%get3A_340, %get3A_341] {strides = array<i32>} : memref<512x32xf32, #tpu.memory_space<vmem>>, vector<1x16xf32>,
      %get3A_343 = vector.shape_cast %get3A_342 : vector<1x16xf32> to vector<16xf32>
      %get3A_344 = arith.index_cast %add3A_331 : i32 to index
      %get3A_345 = arith.constant 16 : index
      %get3A_346 = tpu.vector_load %arg10[%get3A_344, %get3A_345] {strides = array<i32>} : memref<512x32xf32, #tpu.memory_space<vmem>>, vector<1x16xf32>,
      %get3A_347 = vector.shape_cast %get3A_346 : vector<1x16xf32> to vector<16xf32>
      %mul3A_348 = arith.mulf %get3A_335, %get3A_343 : vector<16xf32>
      %mul3A_349 = arith.mulf %get3A_339, %get3A_347 : vector<16xf32>
      %add3A_350 = arith.addf %mul3A_348, %mul3A_349 : vector<16xf32>
      %mul3A_351 = arith.constant 16 : i32
      %mul3A_352 = arith.muli %scan3A_52, %mul3A_351 : i32
      %add3A_353 = arith.constant 13 : i32
      %add3A_354 = arith.addi %mul3A_352, %add3A_353 : i32
      %get3A_355 = arith.index_cast %add3A_354 : i32 to index
      %get3A_356 = arith.constant 0 : index
      %get3A_357 = tpu.vector_load %arg9[%get3A_355, %get3A_356] {strides = array<i32>} : memref<512x32xf32, #tpu.memory_space<vmem>>, vector<1x16xf32>,
      %get3A_358 = vector.shape_cast %get3A_357 : vector<1x16xf32> to vector<16xf32>
      %get3A_359 = arith.index_cast %add3A_354 : i32 to index
      %get3A_360 = arith.constant 16 : index
      %get3A_361 = tpu.vector_load %arg9[%get3A_359, %get3A_360] {strides = array<i32>} : memref<512x32xf32, #tpu.memory_space<vmem>>, vector<1x16xf32>,
      %get3A_362 = vector.shape_cast %get3A_361 : vector<1x16xf32> to vector<16xf32>
      %get3A_363 = arith.index_cast %add3A_354 : i32 to index
      %get3A_364 = arith.constant 0 : index
      %get3A_365 = tpu.vector_load %arg10[%get3A_363, %get3A_364] {strides = array<i32>} : memref<512x32xf32, #tpu.memory_space<vmem>>, vector<1x16xf32>,
      %get3A_366 = vector.shape_cast %get3A_365 : vector<1x16xf32> to vector<16xf32>
      %get3A_367 = arith.index_cast %add3A_354 : i32 to index
      %get3A_368 = arith.constant 16 : index
      %get3A_369 = tpu.vector_load %arg10[%get3A_367, %get3A_368] {strides = array<i32>} : memref<512x32xf32, #tpu.memory_space<vmem>>, vector<1x16xf32>,
      %get3A_370 = vector.shape_cast %get3A_369 : vector<1x16xf32> to vector<16xf32>
      %mul3A_371 = arith.mulf %get3A_358, %get3A_366 : vector<16xf32>
      %mul3A_372 = arith.mulf %get3A_362, %get3A_370 : vector<16xf32>
      %add3A_373 = arith.addf %mul3A_371, %mul3A_372 : vector<16xf32>
      %mul3A_374 = arith.constant 16 : i32
      %mul3A_375 = arith.muli %scan3A_52, %mul3A_374 : i32
      %add3A_376 = arith.constant 14 : i32
      %add3A_377 = arith.addi %mul3A_375, %add3A_376 : i32
      %get3A_378 = arith.index_cast %add3A_377 : i32 to index
      %get3A_379 = arith.constant 0 : index
      %get3A_380 = tpu.vector_load %arg9[%get3A_378, %get3A_379] {strides = array<i32>} : memref<512x32xf32, #tpu.memory_space<vmem>>, vector<1x16xf32>,
      %get3A_381 = vector.shape_cast %get3A_380 : vector<1x16xf32> to vector<16xf32>
      %get3A_382 = arith.index_cast %add3A_377 : i32 to index
      %get3A_383 = arith.constant 16 : index
      %get3A_384 = tpu.vector_load %arg9[%get3A_382, %get3A_383] {strides = array<i32>} : memref<512x32xf32, #tpu.memory_space<vmem>>, vector<1x16xf32>,
      %get3A_385 = vector.shape_cast %get3A_384 : vector<1x16xf32> to vector<16xf32>
      %get3A_386 = arith.index_cast %add3A_377 : i32 to index
      %get3A_387 = arith.constant 0 : index
      %get3A_388 = tpu.vector_load %arg10[%get3A_386, %get3A_387] {strides = array<i32>} : memref<512x32xf32, #tpu.memory_space<vmem>>, vector<1x16xf32>,
      %get3A_389 = vector.shape_cast %get3A_388 : vector<1x16xf32> to vector<16xf32>
      %get3A_390 = arith.index_cast %add3A_377 : i32 to index
      %get3A_391 = arith.constant 16 : index
      %get3A_392 = tpu.vector_load %arg10[%get3A_390, %get3A_391] {strides = array<i32>} : memref<512x32xf32, #tpu.memory_space<vmem>>, vector<1x16xf32>,
      %get3A_393 = vector.shape_cast %get3A_392 : vector<1x16xf32> to vector<16xf32>
      %mul3A_394 = arith.mulf %get3A_381, %get3A_389 : vector<16xf32>
      %mul3A_395 = arith.mulf %get3A_385, %get3A_393 : vector<16xf32>
      %add3A_396 = arith.addf %mul3A_394, %mul3A_395 : vector<16xf32>
      %mul3A_397 = arith.constant 16 : i32
      %mul3A_398 = arith.muli %scan3A_52, %mul3A_397 : i32
      %add3A_399 = arith.constant 15 : i32
      %add3A_400 = arith.addi %mul3A_398, %add3A_399 : i32
      %get3A_401 = arith.index_cast %add3A_400 : i32 to index
      %get3A_402 = arith.constant 0 : index
      %get3A_403 = tpu.vector_load %arg9[%get3A_401, %get3A_402] {strides = array<i32>} : memref<512x32xf32, #tpu.memory_space<vmem>>, vector<1x16xf32>,
      %get3A_404 = vector.shape_cast %get3A_403 : vector<1x16xf32> to vector<16xf32>
      %get3A_405 = arith.index_cast %add3A_400 : i32 to index
      %get3A_406 = arith.constant 16 : index
      %get3A_407 = tpu.vector_load %arg9[%get3A_405, %get3A_406] {strides = array<i32>} : memref<512x32xf32, #tpu.memory_space<vmem>>, vector<1x16xf32>,
      %get3A_408 = vector.shape_cast %get3A_407 : vector<1x16xf32> to vector<16xf32>
      %get3A_409 = arith.index_cast %add3A_400 : i32 to index
      %get3A_410 = arith.constant 0 : index
      %get3A_411 = tpu.vector_load %arg10[%get3A_409, %get3A_410] {strides = array<i32>} : memref<512x32xf32, #tpu.memory_space<vmem>>, vector<1x16xf32>,
      %get3A_412 = vector.shape_cast %get3A_411 : vector<1x16xf32> to vector<16xf32>
      %get3A_413 = arith.index_cast %add3A_400 : i32 to index
      %get3A_414 = arith.constant 16 : index
      %get3A_415 = tpu.vector_load %arg10[%get3A_413, %get3A_414] {strides = array<i32>} : memref<512x32xf32, #tpu.memory_space<vmem>>, vector<1x16xf32>,
      %get3A_416 = vector.shape_cast %get3A_415 : vector<1x16xf32> to vector<16xf32>
      %mul3A_417 = arith.mulf %get3A_404, %get3A_412 : vector<16xf32>
      %mul3A_418 = arith.mulf %get3A_408, %get3A_416 : vector<16xf32>
      %add3A_419 = arith.addf %mul3A_417, %mul3A_418 : vector<16xf32>
      %and3A_420 = arith.constant 8 : i32
      %and3A_421 = vector.broadcast %and3A_420 : i32 to vector<16xi32>
      %and3A_422 = arith.andi %iota3A, %and3A_421 : vector<16xi32>
      %eq3A = arith.constant 0 : i32
      %eq3A_423 = vector.broadcast %eq3A : i32 to vector<16xi32>
      %eq3A_424 = arith.cmpi eq, %and3A_422, %eq3A_423 : vector<16xi32>
      %broadcast_in_dim3A = vector.shape_cast %xor3A_14 : vector<16xi32> to vector<16x1xi32>
      %gather3A = vector.shape_cast %broadcast_in_dim3A : vector<16x1xi32> to vector<16xi32>
      %gather3A_425 = tpu.dynamic_gather %add3A_74[%gather3A] in [0] : vector<16xf32>, vector<16xi32> -> vector<16xf32>
      %add3A_426 = arith.addf %add3A_74, %gather3A_425 : vector<16xf32>
      %broadcast_in_dim3A_427 = vector.shape_cast %xor3A_14 : vector<16xi32> to vector<16x1xi32>
      %gather3A_428 = vector.shape_cast %broadcast_in_dim3A_427 : vector<16x1xi32> to vector<16xi32>
      %gather3A_429 = tpu.dynamic_gather %add3A_97[%gather3A_428] in [0] : vector<16xf32>, vector<16xi32> -> vector<16xf32>
      %add3A_430 = arith.addf %add3A_97, %gather3A_429 : vector<16xf32>
      %select_n3A = arith.select %eq3A_424, %add3A_426, %add3A_430 : vector<16xi1>, vector<16xf32>
      %and3A_431 = arith.constant 8 : i32
      %and3A_432 = vector.broadcast %and3A_431 : i32 to vector<16xi32>
      %and3A_433 = arith.andi %iota3A, %and3A_432 : vector<16xi32>
      %eq3A_434 = arith.constant 0 : i32
      %eq3A_435 = vector.broadcast %eq3A_434 : i32 to vector<16xi32>
      %eq3A_436 = arith.cmpi eq, %and3A_433, %eq3A_435 : vector<16xi32>
      %broadcast_in_dim3A_437 = vector.shape_cast %xor3A_14 : vector<16xi32> to vector<16x1xi32>
      %gather3A_438 = vector.shape_cast %broadcast_in_dim3A_437 : vector<16x1xi32> to vector<16xi32>
      %gather3A_439 = tpu.dynamic_gather %add3A_120[%gather3A_438] in [0] : vector<16xf32>, vector<16xi32> -> vector<16xf32>
      %add3A_440 = arith.addf %add3A_120, %gather3A_439 : vector<16xf32>
      %broadcast_in_dim3A_441 = vector.shape_cast %xor3A_14 : vector<16xi32> to vector<16x1xi32>
      %gather3A_442 = vector.shape_cast %broadcast_in_dim3A_441 : vector<16x1xi32> to vector<16xi32>
      %gather3A_443 = tpu.dynamic_gather %add3A_143[%gather3A_442] in [0] : vector<16xf32>, vector<16xi32> -> vector<16xf32>
      %add3A_444 = arith.addf %add3A_143, %gather3A_443 : vector<16xf32>
      %select_n3A_445 = arith.select %eq3A_436, %add3A_440, %add3A_444 : vector<16xi1>, vector<16xf32>
      %and3A_446 = arith.constant 8 : i32
      %and3A_447 = vector.broadcast %and3A_446 : i32 to vector<16xi32>
      %and3A_448 = arith.andi %iota3A, %and3A_447 : vector<16xi32>
      %eq3A_449 = arith.constant 0 : i32
      %eq3A_450 = vector.broadcast %eq3A_449 : i32 to vector<16xi32>
      %eq3A_451 = arith.cmpi eq, %and3A_448, %eq3A_450 : vector<16xi32>
      %broadcast_in_dim3A_452 = vector.shape_cast %xor3A_14 : vector<16xi32> to vector<16x1xi32>
      %gather3A_453 = vector.shape_cast %broadcast_in_dim3A_452 : vector<16x1xi32> to vector<16xi32>
      %gather3A_454 = tpu.dynamic_gather %add3A_166[%gather3A_453] in [0] : vector<16xf32>, vector<16xi32> -> vector<16xf32>
      %add3A_455 = arith.addf %add3A_166, %gather3A_454 : vector<16xf32>
      %broadcast_in_dim3A_456 = vector.shape_cast %xor3A_14 : vector<16xi32> to vector<16x1xi32>
      %gather3A_457 = vector.shape_cast %broadcast_in_dim3A_456 : vector<16x1xi32> to vector<16xi32>
      %gather3A_458 = tpu.dynamic_gather %add3A_189[%gather3A_457] in [0] : vector<16xf32>, vector<16xi32> -> vector<16xf32>
      %add3A_459 = arith.addf %add3A_189, %gather3A_458 : vector<16xf32>
      %select_n3A_460 = arith.select %eq3A_451, %add3A_455, %add3A_459 : vector<16xi1>, vector<16xf32>
      %and3A_461 = arith.constant 8 : i32
      %and3A_462 = vector.broadcast %and3A_461 : i32 to vector<16xi32>
      %and3A_463 = arith.andi %iota3A, %and3A_462 : vector<16xi32>
      %eq3A_464 = arith.constant 0 : i32
      %eq3A_465 = vector.broadcast %eq3A_464 : i32 to vector<16xi32>
      %eq3A_466 = arith.cmpi eq, %and3A_463, %eq3A_465 : vector<16xi32>
      %broadcast_in_dim3A_467 = vector.shape_cast %xor3A_14 : vector<16xi32> to vector<16x1xi32>
      %gather3A_468 = vector.shape_cast %broadcast_in_dim3A_467 : vector<16x1xi32> to vector<16xi32>
      %gather3A_469 = tpu.dynamic_gather %add3A_212[%gather3A_468] in [0] : vector<16xf32>, vector<16xi32> -> vector<16xf32>
      %add3A_470 = arith.addf %add3A_212, %gather3A_469 : vector<16xf32>
      %broadcast_in_dim3A_471 = vector.shape_cast %xor3A_14 : vector<16xi32> to vector<16x1xi32>
      %gather3A_472 = vector.shape_cast %broadcast_in_dim3A_471 : vector<16x1xi32> to vector<16xi32>
      %gather3A_473 = tpu.dynamic_gather %add3A_235[%gather3A_472] in [0] : vector<16xf32>, vector<16xi32> -> vector<16xf32>
      %add3A_474 = arith.addf %add3A_235, %gather3A_473 : vector<16xf32>
      %select_n3A_475 = arith.select %eq3A_466, %add3A_470, %add3A_474 : vector<16xi1>, vector<16xf32>
      %and3A_476 = arith.constant 8 : i32
      %and3A_477 = vector.broadcast %and3A_476 : i32 to vector<16xi32>
      %and3A_478 = arith.andi %iota3A, %and3A_477 : vector<16xi32>
      %eq3A_479 = arith.constant 0 : i32
      %eq3A_480 = vector.broadcast %eq3A_479 : i32 to vector<16xi32>
      %eq3A_481 = arith.cmpi eq, %and3A_478, %eq3A_480 : vector<16xi32>
      %broadcast_in_dim3A_482 = vector.shape_cast %xor3A_14 : vector<16xi32> to vector<16x1xi32>
      %gather3A_483 = vector.shape_cast %broadcast_in_dim3A_482 : vector<16x1xi32> to vector<16xi32>
      %gather3A_484 = tpu.dynamic_gather %add3A_258[%gather3A_483] in [0] : vector<16xf32>, vector<16xi32> -> vector<16xf32>
      %add3A_485 = arith.addf %add3A_258, %gather3A_484 : vector<16xf32>
      %broadcast_in_dim3A_486 = vector.shape_cast %xor3A_14 : vector<16xi32> to vector<16x1xi32>
      %gather3A_487 = vector.shape_cast %broadcast_in_dim3A_486 : vector<16x1xi32> to vector<16xi32>
      %gather3A_488 = tpu.dynamic_gather %add3A_281[%gather3A_487] in [0] : vector<16xf32>, vector<16xi32> -> vector<16xf32>
      %add3A_489 = arith.addf %add3A_281, %gather3A_488 : vector<16xf32>
      %select_n3A_490 = arith.select %eq3A_481, %add3A_485, %add3A_489 : vector<16xi1>, vector<16xf32>
      %and3A_491 = arith.constant 8 : i32
      %and3A_492 = vector.broadcast %and3A_491 : i32 to vector<16xi32>
      %and3A_493 = arith.andi %iota3A, %and3A_492 : vector<16xi32>
      %eq3A_494 = arith.constant 0 : i32
      %eq3A_495 = vector.broadcast %eq3A_494 : i32 to vector<16xi32>
      %eq3A_496 = arith.cmpi eq, %and3A_493, %eq3A_495 : vector<16xi32>
      %broadcast_in_dim3A_497 = vector.shape_cast %xor3A_14 : vector<16xi32> to vector<16x1xi32>
      %gather3A_498 = vector.shape_cast %broadcast_in_dim3A_497 : vector<16x1xi32> to vector<16xi32>
      %gather3A_499 = tpu.dynamic_gather %add3A_304[%gather3A_498] in [0] : vector<16xf32>, vector<16xi32> -> vector<16xf32>
      %add3A_500 = arith.addf %add3A_304, %gather3A_499 : vector<16xf32>
      %broadcast_in_dim3A_501 = vector.shape_cast %xor3A_14 : vector<16xi32> to vector<16x1xi32>
      %gather3A_502 = vector.shape_cast %broadcast_in_dim3A_501 : vector<16x1xi32> to vector<16xi32>
      %gather3A_503 = tpu.dynamic_gather %add3A_327[%gather3A_502] in [0] : vector<16xf32>, vector<16xi32> -> vector<16xf32>
      %add3A_504 = arith.addf %add3A_327, %gather3A_503 : vector<16xf32>
      %select_n3A_505 = arith.select %eq3A_496, %add3A_500, %add3A_504 : vector<16xi1>, vector<16xf32>
      %and3A_506 = arith.constant 8 : i32
      %and3A_507 = vector.broadcast %and3A_506 : i32 to vector<16xi32>
      %and3A_508 = arith.andi %iota3A, %and3A_507 : vector<16xi32>
      %eq3A_509 = arith.constant 0 : i32
      %eq3A_510 = vector.broadcast %eq3A_509 : i32 to vector<16xi32>
      %eq3A_511 = arith.cmpi eq, %and3A_508, %eq3A_510 : vector<16xi32>
      %broadcast_in_dim3A_512 = vector.shape_cast %xor3A_14 : vector<16xi32> to vector<16x1xi32>
      %gather3A_513 = vector.shape_cast %broadcast_in_dim3A_512 : vector<16x1xi32> to vector<16xi32>
      %gather3A_514 = tpu.dynamic_gather %add3A_350[%gather3A_513] in [0] : vector<16xf32>, vector<16xi32> -> vector<16xf32>
      %add3A_515 = arith.addf %add3A_350, %gather3A_514 : vector<16xf32>
      %broadcast_in_dim3A_516 = vector.shape_cast %xor3A_14 : vector<16xi32> to vector<16x1xi32>
      %gather3A_517 = vector.shape_cast %broadcast_in_dim3A_516 : vector<16x1xi32> to vector<16xi32>
      %gather3A_518 = tpu.dynamic_gather %add3A_373[%gather3A_517] in [0] : vector<16xf32>, vector<16xi32> -> vector<16xf32>
      %add3A_519 = arith.addf %add3A_373, %gather3A_518 : vector<16xf32>
      %select_n3A_520 = arith.select %eq3A_511, %add3A_515, %add3A_519 : vector<16xi1>, vector<16xf32>
      %and3A_521 = arith.constant 8 : i32
      %and3A_522 = vector.broadcast %and3A_521 : i32 to vector<16xi32>
      %and3A_523 = arith.andi %iota3A, %and3A_522 : vector<16xi32>
      %eq3A_524 = arith.constant 0 : i32
      %eq3A_525 = vector.broadcast %eq3A_524 : i32 to vector<16xi32>
      %eq3A_526 = arith.cmpi eq, %and3A_523, %eq3A_525 : vector<16xi32>
      %broadcast_in_dim3A_527 = vector.shape_cast %xor3A_14 : vector<16xi32> to vector<16x1xi32>
      %gather3A_528 = vector.shape_cast %broadcast_in_dim3A_527 : vector<16x1xi32> to vector<16xi32>
      %gather3A_529 = tpu.dynamic_gather %add3A_396[%gather3A_528] in [0] : vector<16xf32>, vector<16xi32> -> vector<16xf32>
      %add3A_530 = arith.addf %add3A_396, %gather3A_529 : vector<16xf32>
      %broadcast_in_dim3A_531 = vector.shape_cast %xor3A_14 : vector<16xi32> to vector<16x1xi32>
      %gather3A_532 = vector.shape_cast %broadcast_in_dim3A_531 : vector<16x1xi32> to vector<16xi32>
      %gather3A_533 = tpu.dynamic_gather %add3A_419[%gather3A_532] in [0] : vector<16xf32>, vector<16xi32> -> vector<16xf32>
      %add3A_534 = arith.addf %add3A_419, %gather3A_533 : vector<16xf32>
      %select_n3A_535 = arith.select %eq3A_526, %add3A_530, %add3A_534 : vector<16xi1>, vector<16xf32>
      %and3A_536 = arith.constant 4 : i32
      %and3A_537 = vector.broadcast %and3A_536 : i32 to vector<16xi32>
      %and3A_538 = arith.andi %iota3A, %and3A_537 : vector<16xi32>
      %eq3A_539 = arith.constant 0 : i32
      %eq3A_540 = vector.broadcast %eq3A_539 : i32 to vector<16xi32>
      %eq3A_541 = arith.cmpi eq, %and3A_538, %eq3A_540 : vector<16xi32>
      %broadcast_in_dim3A_542 = vector.shape_cast %xor3A_17 : vector<16xi32> to vector<16x1xi32>
      %gather3A_543 = vector.shape_cast %broadcast_in_dim3A_542 : vector<16x1xi32> to vector<16xi32>
      %gather3A_544 = tpu.dynamic_gather %select_n3A[%gather3A_543] in [0] : vector<16xf32>, vector<16xi32> -> vector<16xf32>
      %add3A_545 = arith.addf %select_n3A, %gather3A_544 : vector<16xf32>
      %broadcast_in_dim3A_546 = vector.shape_cast %xor3A_17 : vector<16xi32> to vector<16x1xi32>
      %gather3A_547 = vector.shape_cast %broadcast_in_dim3A_546 : vector<16x1xi32> to vector<16xi32>
      %gather3A_548 = tpu.dynamic_gather %select_n3A_445[%gather3A_547] in [0] : vector<16xf32>, vector<16xi32> -> vector<16xf32>
      %add3A_549 = arith.addf %select_n3A_445, %gather3A_548 : vector<16xf32>
      %select_n3A_550 = arith.select %eq3A_541, %add3A_545, %add3A_549 : vector<16xi1>, vector<16xf32>
      %and3A_551 = arith.constant 4 : i32
      %and3A_552 = vector.broadcast %and3A_551 : i32 to vector<16xi32>
      %and3A_553 = arith.andi %iota3A, %and3A_552 : vector<16xi32>
      %eq3A_554 = arith.constant 0 : i32
      %eq3A_555 = vector.broadcast %eq3A_554 : i32 to vector<16xi32>
      %eq3A_556 = arith.cmpi eq, %and3A_553, %eq3A_555 : vector<16xi32>
      %broadcast_in_dim3A_557 = vector.shape_cast %xor3A_17 : vector<16xi32> to vector<16x1xi32>
      %gather3A_558 = vector.shape_cast %broadcast_in_dim3A_557 : vector<16x1xi32> to vector<16xi32>
      %gather3A_559 = tpu.dynamic_gather %select_n3A_460[%gather3A_558] in [0] : vector<16xf32>, vector<16xi32> -> vector<16xf32>
      %add3A_560 = arith.addf %select_n3A_460, %gather3A_559 : vector<16xf32>
      %broadcast_in_dim3A_561 = vector.shape_cast %xor3A_17 : vector<16xi32> to vector<16x1xi32>
      %gather3A_562 = vector.shape_cast %broadcast_in_dim3A_561 : vector<16x1xi32> to vector<16xi32>
      %gather3A_563 = tpu.dynamic_gather %select_n3A_475[%gather3A_562] in [0] : vector<16xf32>, vector<16xi32> -> vector<16xf32>
      %add3A_564 = arith.addf %select_n3A_475, %gather3A_563 : vector<16xf32>
      %select_n3A_565 = arith.select %eq3A_556, %add3A_560, %add3A_564 : vector<16xi1>, vector<16xf32>
      %and3A_566 = arith.constant 4 : i32
      %and3A_567 = vector.broadcast %and3A_566 : i32 to vector<16xi32>
      %and3A_568 = arith.andi %iota3A, %and3A_567 : vector<16xi32>
      %eq3A_569 = arith.constant 0 : i32
      %eq3A_570 = vector.broadcast %eq3A_569 : i32 to vector<16xi32>
      %eq3A_571 = arith.cmpi eq, %and3A_568, %eq3A_570 : vector<16xi32>
      %broadcast_in_dim3A_572 = vector.shape_cast %xor3A_17 : vector<16xi32> to vector<16x1xi32>
      %gather3A_573 = vector.shape_cast %broadcast_in_dim3A_572 : vector<16x1xi32> to vector<16xi32>
      %gather3A_574 = tpu.dynamic_gather %select_n3A_490[%gather3A_573] in [0] : vector<16xf32>, vector<16xi32> -> vector<16xf32>
      %add3A_575 = arith.addf %select_n3A_490, %gather3A_574 : vector<16xf32>
      %broadcast_in_dim3A_576 = vector.shape_cast %xor3A_17 : vector<16xi32> to vector<16x1xi32>
      %gather3A_577 = vector.shape_cast %broadcast_in_dim3A_576 : vector<16x1xi32> to vector<16xi32>
      %gather3A_578 = tpu.dynamic_gather %select_n3A_505[%gather3A_577] in [0] : vector<16xf32>, vector<16xi32> -> vector<16xf32>
      %add3A_579 = arith.addf %select_n3A_505, %gather3A_578 : vector<16xf32>
      %select_n3A_580 = arith.select %eq3A_571, %add3A_575, %add3A_579 : vector<16xi1>, vector<16xf32>
      %and3A_581 = arith.constant 4 : i32
      %and3A_582 = vector.broadcast %and3A_581 : i32 to vector<16xi32>
      %and3A_583 = arith.andi %iota3A, %and3A_582 : vector<16xi32>
      %eq3A_584 = arith.constant 0 : i32
      %eq3A_585 = vector.broadcast %eq3A_584 : i32 to vector<16xi32>
      %eq3A_586 = arith.cmpi eq, %and3A_583, %eq3A_585 : vector<16xi32>
      %broadcast_in_dim3A_587 = vector.shape_cast %xor3A_17 : vector<16xi32> to vector<16x1xi32>
      %gather3A_588 = vector.shape_cast %broadcast_in_dim3A_587 : vector<16x1xi32> to vector<16xi32>
      %gather3A_589 = tpu.dynamic_gather %select_n3A_520[%gather3A_588] in [0] : vector<16xf32>, vector<16xi32> -> vector<16xf32>
      %add3A_590 = arith.addf %select_n3A_520, %gather3A_589 : vector<16xf32>
      %broadcast_in_dim3A_591 = vector.shape_cast %xor3A_17 : vector<16xi32> to vector<16x1xi32>
      %gather3A_592 = vector.shape_cast %broadcast_in_dim3A_591 : vector<16x1xi32> to vector<16xi32>
      %gather3A_593 = tpu.dynamic_gather %select_n3A_535[%gather3A_592] in [0] : vector<16xf32>, vector<16xi32> -> vector<16xf32>
      %add3A_594 = arith.addf %select_n3A_535, %gather3A_593 : vector<16xf32>
      %select_n3A_595 = arith.select %eq3A_586, %add3A_590, %add3A_594 : vector<16xi1>, vector<16xf32>
      %and3A_596 = arith.constant 2 : i32
      %and3A_597 = vector.broadcast %and3A_596 : i32 to vector<16xi32>
      %and3A_598 = arith.andi %iota3A, %and3A_597 : vector<16xi32>
      %eq3A_599 = arith.constant 0 : i32
      %eq3A_600 = vector.broadcast %eq3A_599 : i32 to vector<16xi32>
      %eq3A_601 = arith.cmpi eq, %and3A_598, %eq3A_600 : vector<16xi32>
      %broadcast_in_dim3A_602 = vector.shape_cast %xor3A_20 : vector<16xi32> to vector<16x1xi32>
      %gather3A_603 = vector.shape_cast %broadcast_in_dim3A_602 : vector<16x1xi32> to vector<16xi32>
      %gather3A_604 = tpu.dynamic_gather %select_n3A_550[%gather3A_603] in [0] : vector<16xf32>, vector<16xi32> -> vector<16xf32>
      %add3A_605 = arith.addf %select_n3A_550, %gather3A_604 : vector<16xf32>
      %broadcast_in_dim3A_606 = vector.shape_cast %xor3A_20 : vector<16xi32> to vector<16x1xi32>
      %gather3A_607 = vector.shape_cast %broadcast_in_dim3A_606 : vector<16x1xi32> to vector<16xi32>
      %gather3A_608 = tpu.dynamic_gather %select_n3A_565[%gather3A_607] in [0] : vector<16xf32>, vector<16xi32> -> vector<16xf32>
      %add3A_609 = arith.addf %select_n3A_565, %gather3A_608 : vector<16xf32>
      %select_n3A_610 = arith.select %eq3A_601, %add3A_605, %add3A_609 : vector<16xi1>, vector<16xf32>
      %and3A_611 = arith.constant 2 : i32
      %and3A_612 = vector.broadcast %and3A_611 : i32 to vector<16xi32>
      %and3A_613 = arith.andi %iota3A, %and3A_612 : vector<16xi32>
      %eq3A_614 = arith.constant 0 : i32
      %eq3A_615 = vector.broadcast %eq3A_614 : i32 to vector<16xi32>
      %eq3A_616 = arith.cmpi eq, %and3A_613, %eq3A_615 : vector<16xi32>
      %broadcast_in_dim3A_617 = vector.shape_cast %xor3A_20 : vector<16xi32> to vector<16x1xi32>
      %gather3A_618 = vector.shape_cast %broadcast_in_dim3A_617 : vector<16x1xi32> to vector<16xi32>
      %gather3A_619 = tpu.dynamic_gather %select_n3A_580[%gather3A_618] in [0] : vector<16xf32>, vector<16xi32> -> vector<16xf32>
      %add3A_620 = arith.addf %select_n3A_580, %gather3A_619 : vector<16xf32>
      %broadcast_in_dim3A_621 = vector.shape_cast %xor3A_20 : vector<16xi32> to vector<16x1xi32>
      %gather3A_622 = vector.shape_cast %broadcast_in_dim3A_621 : vector<16x1xi32> to vector<16xi32>
      %gather3A_623 = tpu.dynamic_gather %select_n3A_595[%gather3A_622] in [0] : vector<16xf32>, vector<16xi32> -> vector<16xf32>
      %add3A_624 = arith.addf %select_n3A_595, %gather3A_623 : vector<16xf32>
      %select_n3A_625 = arith.select %eq3A_616, %add3A_620, %add3A_624 : vector<16xi1>, vector<16xf32>
      %and3A_626 = arith.constant 1 : i32
      %and3A_627 = vector.broadcast %and3A_626 : i32 to vector<16xi32>
      %and3A_628 = arith.andi %iota3A, %and3A_627 : vector<16xi32>
      %eq3A_629 = arith.constant 0 : i32
      %eq3A_630 = vector.broadcast %eq3A_629 : i32 to vector<16xi32>
      %eq3A_631 = arith.cmpi eq, %and3A_628, %eq3A_630 : vector<16xi32>
      %broadcast_in_dim3A_632 = vector.shape_cast %xor3A_23 : vector<16xi32> to vector<16x1xi32>
      %gather3A_633 = vector.shape_cast %broadcast_in_dim3A_632 : vector<16x1xi32> to vector<16xi32>
      %gather3A_634 = tpu.dynamic_gather %select_n3A_610[%gather3A_633] in [0] : vector<16xf32>, vector<16xi32> -> vector<16xf32>
      %add3A_635 = arith.addf %select_n3A_610, %gather3A_634 : vector<16xf32>
      %broadcast_in_dim3A_636 = vector.shape_cast %xor3A_23 : vector<16xi32> to vector<16x1xi32>
      %gather3A_637 = vector.shape_cast %broadcast_in_dim3A_636 : vector<16x1xi32> to vector<16xi32>
      %gather3A_638 = tpu.dynamic_gather %select_n3A_625[%gather3A_637] in [0] : vector<16xf32>, vector<16xi32> -> vector<16xf32>
      %add3A_639 = arith.addf %select_n3A_625, %gather3A_638 : vector<16xf32>
      %select_n3A_640 = arith.select %eq3A_631, %add3A_635, %add3A_639 : vector<16xi1>, vector<16xf32>
      %broadcast_in_dim3A_641 = vector.shape_cast %or3A_46 : vector<16xi32> to vector<16x1xi32>
      %gather3A_642 = vector.shape_cast %broadcast_in_dim3A_641 : vector<16x1xi32> to vector<16xi32>
      %gather3A_643 = tpu.dynamic_gather %select_n3A_640[%gather3A_642] in [0] : vector<16xf32>, vector<16xi32> -> vector<16xf32>
      %mul3A_644 = arith.constant 16 : i32
      %mul3A_645 = arith.muli %scan3A_52, %mul3A_644 : i32
      %swap3A = arith.index_cast %mul3A_645 : i32 to index
      %swap3A_646 = tpu.vector_load %arg11[%swap3A] {strides = array<i32>} : memref<512xf32, #tpu.memory_space<vmem>>, vector<16xf32>,
      %swap3A_647 = vector.shape_cast %swap3A_646 : vector<16xf32> to vector<16xf32>
      %swap3A_648 = vector.shape_cast %gather3A_643 : vector<16xf32> to vector<16xf32>
      tpu.vector_store %arg11[%swap3A], %swap3A_648 {strides = array<i32>} : memref<512xf32, #tpu.memory_space<vmem>>, vector<16xf32>,
    }
    %scan3A_51 = arith.constant 32 : i32
    "tpu.region"() ({
      %run_scoped3A = tpu.sem_alloc : memref<!tpu.dma_semaphore, #tpu.memory_space<semaphore_mem>>
      %dma_start3A_52 = tpu.memref_slice %arg6[%mul3A_2] : memref<16384xf32, #tpu.memory_space<hbm>> -> memref<512xf32, #tpu.memory_space<hbm>>
      %dma_start3A_53 = tpu.memref_slice %arg6[%mul3A_2] : memref<16384xf32, #tpu.memory_space<hbm>> -> memref<512xf32, #tpu.memory_space<hbm>>
      tpu.enqueue_dma source(%arg11 : memref<512xf32, #tpu.memory_space<vmem>>) target(%dma_start3A_53 : memref<512xf32, #tpu.memory_space<hbm>>) target_semaphore(%run_scoped3A : memref<!tpu.dma_semaphore, #tpu.memory_space<semaphore_mem>>)
      %dma_wait3A_54 = tpu.memref_slice %arg6[%mul3A_2] : memref<16384xf32, #tpu.memory_space<hbm>> -> memref<512xf32, #tpu.memory_space<hbm>>
      %dma_wait3A_55 = tpu.memref_slice %arg6[%mul3A_2] : memref<16384xf32, #tpu.memory_space<hbm>> -> memref<512xf32, #tpu.memory_space<hbm>>
      tpu.wait_dma2 semaphore(%run_scoped3A : memref<!tpu.dma_semaphore, #tpu.memory_space<semaphore_mem>>) src(%arg11 : memref<512xf32, #tpu.memory_space<vmem>>) dst(%dma_wait3A_55 : memref<512xf32, #tpu.memory_space<hbm>>)
      tpu.yield
    }) : () -> ()
    return
  }
}

</mosaic_0001>

<sc_bundles>
// kernel: kernel.3.cloned.1.call-start
scs
__scs_entry_jumppad:
0x0: {  	(pc) =	sbr.rel $0x88, $3  }
0x1: {  	(tag) =	ssettag $0x0;
	lr =	simm.s32 $0x1  }
0x2: {  	[smem:$0x3F9D] =	sst lr;
	_ =	strace $0xD0000000  }
0x3: {  	_ = 	snop  }
0x4: {  	_ = 	snop  }
0x5: {  	_ = 	snop  }
0x6: {  	_ = 	snop  }
0x7: {  	_ = 	snop  }
__scs_overlays_trampoline_lowered:
0x8: {  	[smem:$0x3FAC] =	sst s0  }
0x9: {  	[smem:$0x3FAD] =	sst s1  }
0xa: {  	[smem:$0x3FAE] =	sst s2  }
0xb: {  	[smem:$0x3FAF] =	sst s3  }
0xc: {  	[smem:$0x3FB0] =	sst s4  }
0xd: {  	[smem:$0x3FB1] =	sst s5  }
0xe: {  	[smem:$0x3FB2] =	sst s6  }
0xf: {  	[smem:$0x3FB3] =	sst s7  }
0x10: {  	[smem:$0x3FB4] =	sst s8  }
0x11: {  	[smem:$0x3FB5] =	sst s9;
	s0 =	simm.s32 @!p0 $0x0  }
0x12: {  	s1 =	sld [smem:$0x3F9B];
	s0 =	simm.s32 @p0 $0x1  }
0x13: {  	[smem:$0x3FB6] =	sst s0;
	s0 =	simm.s32 @!p1 $0x0  }
0x14: {  	s2 =	sld [smem:$0x3F9A];
	s0 =	simm.s32 @p1 $0x1  }
0x15: {  	[smem:$0x3FB7] =	sst s0;
	s0 =	simm.s32 @!p2 $0x0  }
0x16: {  	s3 =	sld [smem:$0x3FDB];
	s0 =	simm.s32 @p2 $0x1  }
0x17: {  	s4 =	simm.s32 $0x1BF5;
	[smem:$0x3FB9] =	sst s0  }
0x18: {  	s0 =	sld [smem:$0x3F9C];
	_ =	swait.ge [sflag:s4], $0x0  }
0x19: {  	s7 =	sld [smem:$0x3F9D]  }
0x1a: {  	s8 =	sadd.s32 $0xFFFFE003, lr  }
0x1b: {  	s9 =	sadd.s32 $0xFFFFFEF7, lr;
	s5 =	simm.s32 $0xFFFFFFFF;
	p2 =	slt.u32 s8, $0xFFFFF086  }
0x1c: {  	p1 =	slt.u32 s9, $0xF7A;
	s5 =	simm.s32 @!p2 $0x0  }
0x1d: {  	s5 =	simm.s32 @p1 $0x1;
	p0 =	seq.s32 s7, s2  }
0x1e: {  	s7 =	smul.u32 @!p0 $0xF7A, s2;
	p2 =	seq.s32 @!p0 s5, $0x0  }
0x1f: {  	s9 =	smul.u32 $0xF7A, s1;
	s8 =	simm.s32 @!p0 $0x1BF5;
	p2 =	por !p2, p0  }
0x20: {  	[sflag:s8] =	ssyncset.s32 @!p0 $0xFFFFF086;
	s6 =	sadd.s32 @!p0 s3, s7;
	s7 =	simm.s32 @!p0 $0x108  }
0x21: {  	s3 =	sadd.s32 s3, s9;
	s6 =	sadd.s32 @!p0 $0x88, s6;
	s7 =	simm.s32 @p2 $0x1082  }
0x22: {  	[simem:s7], [sflag:s8] =	dma.local @!p0 [hbm:s6], $0xF7A  }
0x23: {  	s9 =	sor.u32 $0xD0000000, s2;
	s6 =	simm.s32 $0x108;
	_ =	swait.ge @!p0 [sflag:s8], $0x0  }
0x24: {  	s3 =	sadd.s32 $0x88, s3;
	s6 =	simm.s32 @!p1 $0x1082;
	[sflag:s4] =	ssyncset.s32 $0xFFFFF086  }
0x25: {  	[simem:s6], [sflag:s4] =	dma.local [hbm:s3], $0xF7A  }
0x26: {  	[smem:$0x3F9D] =	sst s1;
	(tag) =	ssettag s2;
	_ =	strace s9  }
0x27: {  	s1 =	sld [smem:$0x3FAD]  }
0x28: {  	s2 =	sld [smem:$0x3FAE]  }
0x29: {  	s4 =	sld [smem:$0x3FB0]  }
0x2a: {  	p0 =	seq.s32 s5, $0x0;
	s5 =	sld [smem:$0x3FB1]  }
0x2b: {  	s6 =	sld [smem:$0x3FB2]  }
0x2c: {  	s7 =	sld [smem:$0x3FB3]  }
0x2d: {  	s3 =	simm.s32 $0x108;
	s8 =	sld [smem:$0x3FB4]  }
0x2e: {  	s3 =	simm.s32 @!p0 $0x1082;
	s9 =	sld [smem:$0x3FB5]  }
0x2f: {  	lr =	sadd.s32 s0, s3;
	s0 =	sld [smem:$0x3FAC]  }
0x30: {  	s3 =	sld [smem:$0x3FAF]  }
0x31: {  	[smem:$0x3FB8] =	sst s10  }
0x32: {  	s10 =	sld [smem:$0x3FB6];
	_ =	sdelay $0x3  }
0x33: {  	p0 =	seq.s32 s10, $0x1;
	s10 =	sld [smem:$0x3FB8];
	_ =	sdelay $0x3  }
0x34: {  	[smem:$0x3FB8] =	sst s10  }
0x35: {  	s10 =	sld [smem:$0x3FB7];
	_ =	sdelay $0x3  }
0x36: {  	p1 =	seq.s32 s10, $0x1;
	s10 =	sld [smem:$0x3FB8];
	_ =	sdelay $0x3  }
0x37: {  	[smem:$0x3FB8] =	sst s10  }
0x38: {  	s10 =	sld [smem:$0x3FB9]  }
0x39: {  	_ = 	snop;
	(pc) =	sbr.ind lr, $3  }
0x3a: {  	_ = 	snop  }
0x3b: {  	_ = 	snop  }
0x3c: {  	p2 =	seq.s32 s10, $0x1;
	s10 =	sld [smem:$0x3FB8]  }
0x3d: {  	_ =	shalt  }
0x3e: {  	_ =	shalt  }
0x3f: {  	_ =	shalt  }
0x40: {  	_ =	shalt  }
0x41: {  	_ =	shalt  }
0x42: {  	_ =	shalt  }
0x43: {  	_ =	shalt  }
0x44: {  	_ =	shalt  }
0x45: {  	_ =	shalt  }
0x46: {  	_ =	shalt  }
0x47: {  	_ =	shalt  }
0x48: {  	_ =	shalt  }
0x49: {  	_ =	shalt  }
0x4a: {  	_ =	shalt  }
0x4b: {  	_ =	shalt  }
0x4c: {  	_ =	shalt  }
0x4d: {  	_ =	shalt  }
0x4e: {  	_ =	shalt  }
0x4f: {  	_ =	shalt  }
0x50: {  	_ =	shalt  }
0x51: {  	_ =	shalt  }
0x52: {  	_ =	shalt  }
0x53: {  	_ =	shalt  }
0x54: {  	_ =	shalt  }
0x55: {  	_ =	shalt  }
0x56: {  	_ =	shalt  }
0x57: {  	_ =	shalt  }
0x58: {  	_ =	shalt  }
0x59: {  	_ =	shalt  }
0x5a: {  	_ =	shalt  }
0x5b: {  	_ =	shalt  }
0x5c: {  	_ =	shalt  }
0x5d: {  	_ =	shalt  }
0x5e: {  	_ =	shalt  }
0x5f: {  	_ =	shalt  }
0x60: {  	_ =	shalt  }
0x61: {  	_ =	shalt  }
0x62: {  	_ =	shalt  }
0x63: {  	_ =	shalt  }
0x64: {  	_ =	shalt  }
0x65: {  	_ =	shalt  }
0x66: {  	_ =	shalt  }
0x67: {  	_ =	shalt  }
0x68: {  	_ =	shalt  }
0x69: {  	_ =	shalt  }
0x6a: {  	_ =	shalt  }
0x6b: {  	_ =	shalt  }
0x6c: {  	_ =	shalt  }
0x6d: {  	_ =	shalt  }
0x6e: {  	_ =	shalt  }
0x6f: {  	_ =	shalt  }
0x70: {  	_ =	shalt  }
0x71: {  	_ =	shalt  }
0x72: {  	_ =	shalt  }
0x73: {  	_ =	shalt  }
0x74: {  	_ =	shalt  }
0x75: {  	_ =	shalt  }
0x76: {  	_ =	shalt  }
0x77: {  	_ =	shalt  }
0x78: {  	_ =	shalt  }
0x79: {  	_ =	shalt  }
0x7a: {  	_ =	shalt  }
0x7b: {  	_ =	shalt  }
0x7c: {  	_ =	shalt  }
0x7d: {  	_ =	shalt  }
0x7e: {  	_ =	shalt  }
0x7f: {  	_ =	shalt  }
0x80: {  	_ =	shalt  }
0x81: {  	_ =	shalt  }
0x82: {  	_ =	shalt  }
0x83: {  	_ =	shalt  }
0x84: {  	_ =	shalt  }
0x85: {  	_ =	shalt  }
0x86: {  	_ =	shalt  }
0x87: {  	_ =	shalt  }
.Lfunc_end0:
.L_simem_size_0:
called_computation_lowered:
.L_overlay_start_0:
0x88: {  	s2 =	sld [smem:$0x3FD9]  }
0x89: {  	s3 =	sld [smem:$0x3FFE];
	_ =	sdelay $0x1  }
0x8a: {  	s1 =	srdreg.scid  }
0x8b: {  	s0 =	sand.u32 $0x1, s1  }
0x8c: {  	s17 =	sshll.u32 s0, $0xA;
	s2 =	sadd.s32 s3, s2  }
0x8d: {  	s2 =	sadd.s32 s2, s17  }
0x8e: {  	[smem:$0x3FC4] =	sst s2  }
0x8f: {  	_ = 	snop  }
0x90: {  	s2 =	sld [smem:$0x3FC9]  }
0x91: {  	s18 =	sld [smem:$0x3FC8]  }
0x92: {  	s4 =	sld [smem:$0x3FD0];
	(tm) =	ssettm $0x1  }
0x93: {  	s5 =	sld [smem:$0x3FFB];
	_ =	sdelay $0x3  }
0x94: {  	_ =	strace s5  }
0x95: {  	s5 =	sld [smem:$0x3FFC];
	_ =	sdelay $0x3  }
0x96: {  	_ =	strace s5  }
0x97: {  	s5 =	sld [smem:$0x3FFD];
	_ =	sdelay $0x3  }
0x98: {  	_ =	strace s5  }
0x99: {  	_ =	strace $0x8FFFFFFF  }
0x9a: {  	s19 =	sld [smem:$0x3FDB];
	_ =	sdelay $0x1  }
0x9b: {  	s6 =	simm.s32 $_scs_section_size  }
0x9c: {  	s7 =	simm.s32 $_size__tile_overlayer_lowered;
	s8 =	simm.s32 $_tile_overlayer_lowered  }
0x9d: {  	s22 =	simm.s32 $0x1BFF;
	s21 =	sshll.u32 s8, $0x1;
	s5 =	sadd.s32 s6, s19  }
0x9e: {  	s9 =	simm.s32 $0x0;
	s20 =	sshll.u32 s7, $0x1;
	s7 =	sadd.s32 s21, s5  }
0x9f: {  	[timem:s9], [sflag:s22] =	dma.local [hbm:s7], s20  }
0xa0: {  	_ =	swait.ge [sflag:s22], s20  }
0xa1: {  	s6 =	ssub.s32 $0x0, s20;
	[sflag:s22] =	ssyncset.done $0x0  }
0xa2: {  	[sflag:s22] =	ssyncadd.s32 s6;
	_ =	sdelay $0x1  }
0xa3: {  	s23 =	simm.s32 $0x1B8B  }
0xa4: {  	_ =	swait.ge [sflag:s23], $0x1  }
0xa5: {  	[sflag:s23] =	ssyncset.done $0x0  }
0xa6: {  	s25 =	simm.s32 $0x1B8E;
	s24 =	sld [smem:$0x3FFE];
	[sflag:s23] =	ssyncadd.s32 $0xFFFFFFFF  }
0xa7: {  	s26 =	simm.s32 $execute0_lowered;
	[smem:$0x3FD2] =	sst s25  }
0xa8: {  	s7 =	sshll.u32 s26, $0x1;
	_ =	strace $0x80000046;
	[dreg:$0x1] =	wrdreg $0xFFFFFFFF  }
0xa9: {  	s28 =	simm.s32 $_size_execute0_lowered;
	s5 =	sadd.s32 s5, s7;
	[dreg:$0x0] =	wrdreg $0x0  }
0xaa: {  	s7 =	sshll.u32 s28, $0x1;
	[dreg:$0x2] =	wrdreg s5  }
0xab: {  	[dreg:$0x3] =	wrdreg s7  }
0xac: {  	[dreg:$0x4] =	wrdreg $0xC0  }
0xad: {  	_ =	task [dreg:s9], $0x5FFFF  }
0xae: {  	[dreg:$0x1] =	wrdreg $0xFFFFFFFF  }
0xaf: {  	[dreg:$0x0] =	wrdreg $0x60  }
0xb0: {  	[dreg:$0x2] =	wrdreg s2  }
0xb1: {  	[dreg:$0x3] =	wrdreg s18  }
0xb2: {  	[dreg:$0x4] =	wrdreg s24  }
0xb3: {  	[dreg:$0x5] =	wrdreg s4  }
0xb4: {  	[dreg:$0x6] =	wrdreg $0x9  }
0xb5: {  	_ =	task.clear_ibuf [dreg:s9], $0x7FFFF;
	_ =	strace $0x90000046  }
0xb6: {  	s29 =	simm.s32 $0x9;
	_ =	strace $0x80000048  }
0xb7: {  	_ =	swait.ge [sflag:s29], $0x1  }
0xb8: {  	[sflag:s29] =	ssyncadd.s32 $0xFFFFFFFF  }
0xb9: {  	_ =	strace $0x90000048  }
0xba: {  	_ =	sfence  }
0xbb: {  	s30 =	sld [smem:$0x0];
	_ =	sdelay $0x2  }
0xbc: {  	s31 =	sshll.u32 s1, $0xD;
	s1 =	sshrl.u32 s1, $0x2  }
0xbd: {  	s3 =	sand.u32 $0x4000, s31;
	s1 =	sadd.s32 s1, s30  }
0xbe: {  	s0 =	sor.u32 s3, s0;
	s1 =	sshll.u32 s1, $0x11  }
0xbf: {  	s0 =	sor.u32 s1, s0  }
0xc0: {  	s0 =	sadd.s32 $0x8F2B, s0  }
0xc1: {  	[sflag:s0] =	ssyncadd.remote.s32 $0x1  }
0xc2: {  	_ =	sfence.sel $0xFFFF  }
0xc3: {  	[dreg:$0x0] =	wrdreg $0xFFFFFFFF;
	(pc) =	sbr.abs _section_cstart, $3  }
0xc4: {  	[dreg:$0x1] =	wrdreg $0xFFFFFFFF  }
0xc5: {  	_ =	task.clear_ibuf [dreg:s9], $0x2FFFF;
	_ =	strace $0x9FFFFFFF  }
0xc6: {  	(tm) =	ssettm $0x7FFFFFFF  }
0xc7: {  	_ =	shalt  }
tec
execute0_lowered:
.L_overlay_start_1:
0x0: {  	(tag) =	ssettag $0x1  }
0x1: {  	v0 =	vimm.s32 $0x76543210;
	v1 =	vimm.s32 $0xFEDCBA98  }
0x2: {  	v2 =	vimm.s32 $0xBA98FEDC;
	v3 =	vimm.s32 $0x32107654;
	v4 =	vimm.s32 $0xDCFE98BA  }
0x3: {  	v5 =	vimm.s32 $0x54761032;
	vm0 =	vcmask $0x2F20;
	vm1 =	vcmask $0xF00  }
0x4: {  	vm2 =	vcmask $0x700;
	vm3 =	vcmask $0xB08;
	vm4 =	vcmask $0x300  }
0x5: {  	v6 =	vimm.s32 $0xE6A2C480;
	v0 =	vunpack.c.l.s4.s8 v0;
	v1 =	vunpack.c.l.s4.s8 v1  }
0x6: {  	v2 =	vunpack.c.l.s4.s8 v2;
	v3 =	vunpack.c.l.s4.s8 v3;
	v4 =	vunpack.c.l.s4.s8 v4  }
0x7: {  	v5 =	vunpack.c.l.s4.s8 v5;
	vm0 =	vmor vm1, vm0;
	vm1 =	vcmask $0x1710  }
0x8: {  	vm3 =	vmor vm4, vm3;
	vm4 =	vcmask $0x1310;
	v6 =	vunpack.c.l.s4.s8 v6  }
0x9: {  	vm1 =	vmor vm2, vm1;
	vm2 =	vcmask $0x2720;
	v1 =	vunpack.c.0.s8.s32 v1  }
0xa: {  	s5 =	rddreg [dreg:$0x0];
	vm3 =	vmor vm3, vm4;
	vm4 =	vcmask $0x1B18;
	v0 =	vunpack.c.0.s8.s32 v0  }
0xb: {  	s6 =	rddreg [dreg:$0x1];
	v2 =	vunpack.c.0.s8.s32 v2;
	v3 =	vunpack.c.0.s8.s32 v3;
	v1 =	vand.u32 $0xF, v1  }
0xc: {  	s4 =	rddreg [dreg:$0x2];
	vm3 =	vmor vm3, vm4;
	vm4 =	vcmask $0x2320;
	v0 =	vcombine.low v1, v0  }
0xd: {  	s7 =	rddreg [dreg:$0x3];
	v1 =	vcombine.low v3, v2;
	v2 =	vunpack.c.0.s8.s32 v4;
	v3 =	vunpack.c.0.s8.s32 v5  }
0xe: {  	s0 =	rddreg [dreg:$0x4];
	s1 =	simm.s32 $0x0;
	vm1 =	vmor vm1, vm2;
	vm2 =	vcmask $0x3730;
	vm3 =	vmor vm3, vm4  }
0xf: {  	s8 =	srdreg.scid;
	s2 =	stileid.u32;
	s12 =	simm.s32 $0x4400;
	v4 =	vimm.s32 $0x67452301;
	v2 =	vcombine.low v3, v2;
	v3 =	vimm.s32 $0xEFCDAB89  }
0x10: {  	s13 =	simm.s32 $0x1;
	s14 =	simm.s32 $0x8400;
	s15 =	simm.s32 $0x0;
	vm4 =	vcmask $0x2B28;
	v4 =	vunpack.c.l.s4.s8 v4;
	v3 =	vunpack.c.l.s4.s8 v3  }
0x11: {  	[smem:$0x7FF] =	sst s1;
	s3 =	sadd.s32 $0xF42800, s4;
	s8 =	sand.u32 $0x1, s8;
	vm3 =	vmor vm3, vm4;
	vm4 =	vcmask $0x3330;
	v5 =	vimm.s32 $0xF7B3D591  }
0x12: {  	s10 =	sshll.u32 s2, $0x7;
	s4 =	sadd.s32 $0x1313200, s4;
	s9 =	ssub.s32 $0x2, s8;
	v5 =	vunpack.c.l.s4.s8 v5;
	v4 =	vunpack.c.0.s8.s32 v4;
	v3 =	vunpack.c.0.s8.s32 v3  }
0x13: {  	_ =	strace $0x80000047;
	s8 =	sshll.u32 s8, $0x6;
	s11 =	sshrl.u32 s9, $0x1;
	vm1 =	vmor vm1, vm2;
	vm2 =	vmor vm3, vm4;
	vm3 =	vcmask $0x3B38  }
0x14: {  	s8 =	sor.u32 s8, s10;
	s10 =	simm.s32 $0x200;
	s9 =	ssub.s32 s9, s11;
	v3 =	vcombine.low v4, v3;
	v4 =	vunpack.c.0.s8.s32 v5;
	v5 =	vunpack.c.0.s8.s32 v6  }
0x15: {  	s5 =	sadd.s32 s5, s8;
	s6 =	sadd.s32 s6, s8;
	s7 =	sadd.s32 s7, s8;
	vm2 =	vmor vm2, vm3;
	vm3 =	vmmov $0xff;
	v1 =	vand.u32 $0xF, v1  }
0x16: {  	s11 =	simm.s32 $0x400;
	s8 =	smax.u32 s9, $0x1;
	s9 =	simm.s32 $0x2;
	v2 =	vand.u32 $0xF, v2;
	v3 =	vand.u32 $0xF, v3;
	v4 =	vcombine.low v5, v4  }
.LBB2_1:
0x17: {  	[tilespmem:s1], [sflag:$0x2] =	stream.linear.gather [hbm4b:s5+s1], $0x200, $0x38;
	[tilespmem:$0x8600] =	vst v63  }
0x18: {  	_ =	swait.ge [sflag:s9], $0x200  }
0x19: {  	[sflag:s9] =	ssyncset.done $0x0  }
0x1a: {  	[sflag:s9] =	ssyncadd.s32 $0xFFFFFE00  }
0x1b: {  	[tilespmem:s10], [sflag:$0x2] =	stream.linear.gather [hbm4b:s6+s1], $0x200, $0x38;
	[tilespmem:$0x8600] =	vst v63  }
0x1c: {  	_ =	swait.ge [sflag:s9], $0x200  }
0x1d: {  	[sflag:s9] =	ssyncset.done $0x0  }
0x1e: {  	[sflag:s9] =	ssyncadd.s32 $0xFFFFFE00  }
0x1f: {  	[tilespmem:s11], [sflag:$0x1] =	stream.indirect.gather [hbm4b:s3+s10], $0x20, s1, s10, $0xb8;
	[tilespmem:$0x8600] =	vst v63  }
0x20: {  	_ = 	snop  }
0x21: {  	[tilespmem:s12], [sflag:$0x1] =	stream.indirect.gather [hbm4b:s4+s10], $0x20, s10, s10, $0xb8;
	[tilespmem:$0x8600] =	vst v63  }
0x22: {  	_ =	swait.ge [sflag:s13], $0x4000  }
0x23: {  	[sflag:s13] =	ssyncset.done $0x0  }
0x24: {  	[sflag:s13] =	ssyncadd.s32 $0xFFFFC000  }
0x25: {  	_ =	swait.ge [sflag:s13], $0x4000  }
0x26: {  	[sflag:s13] =	ssyncset.done $0x0  }
0x27: {  	s16 =	simm.s32 $0x0;
	[sflag:s13] =	ssyncadd.s32 $0xFFFFC000  }
0x28: {  	v5 =	vld [tilespmem:s16+$0x4400]  }
0x29: {  	v6 =	vld [tilespmem:s16+$0x400]  }
0x2a: {  	v7 =	vld [tilespmem:s16+$0x410]  }
0x2b: {  	v8 =	vld [tilespmem:s16+$0x4410]  }
0x2c: {  	v9 =	vld [tilespmem:s16+$0x420]  }
0x2d: {  	v10 =	vld [tilespmem:s16+$0x4420]  }
0x2e: {  	v11 =	vld [tilespmem:s16+$0x430]  }
0x2f: {  	v12 =	vld [tilespmem:s16+$0x4430]  }
0x30: {  	v13 =	vld [tilespmem:s16+$0x440]  }
0x31: {  	v14 =	vld [tilespmem:s16+$0x4440]  }
0x32: {  	v15 =	vld [tilespmem:s16+$0x450]  }
0x33: {  	v16 =	vld [tilespmem:s16+$0x4450]  }
0x34: {  	v17 =	vld [tilespmem:s16+$0x460]  }
0x35: {  	v18 =	vld [tilespmem:s16+$0x4460]  }
0x36: {  	v19 =	vld [tilespmem:s16+$0x470]  }
0x37: {  	v20 =	vld [tilespmem:s16+$0x4470]  }
0x38: {  	v21 =	vld [tilespmem:s16+$0x480]  }
0x39: {  	v22 =	vld [tilespmem:s16+$0x4480]  }
0x3a: {  	v23 =	vld [tilespmem:s16+$0x490]  }
0x3b: {  	v24 =	vld [tilespmem:s16+$0x4490]  }
0x3c: {  	v25 =	vld [tilespmem:s16+$0x4A0]  }
0x3d: {  	v26 =	vld [tilespmem:s16+$0x44A0]  }
0x3e: {  	v27 =	vld [tilespmem:s16+$0x4B0]  }
0x3f: {  	v28 =	vld [tilespmem:s16+$0x44B0]  }
0x40: {  	v29 =	vld [tilespmem:s16+$0x4C0]  }
0x41: {  	v30 =	vld [tilespmem:s16+$0x44C0]  }
0x42: {  	v31 =	vld [tilespmem:s16+$0x4D0]  }
0x43: {  	v32 =	vld [tilespmem:s16+$0x44D0]  }
0x44: {  	v33 =	vld [tilespmem:s16+$0x4E0]  }
0x45: {  	v34 =	vld [tilespmem:s16+$0x44E0]  }
0x46: {  	v35 =	vld [tilespmem:s16+$0x4F0]  }
0x47: {  	v36 =	vld [tilespmem:s16+$0x44F0]  }
0x48: {  	v37 =	vld [tilespmem:s16+$0x500]  }
0x49: {  	v38 =	vld [tilespmem:s16+$0x4500]  }
0x4a: {  	v39 =	vld [tilespmem:s16+$0x510]  }
0x4b: {  	v40 =	vld [tilespmem:s16+$0x4510]  }
0x4c: {  	v41 =	vld [tilespmem:s16+$0x520]  }
0x4d: {  	v42 =	vld [tilespmem:s16+$0x4520]  }
0x4e: {  	v43 =	vld [tilespmem:s16+$0x530]  }
0x4f: {  	v44 =	vld [tilespmem:s16+$0x4530]  }
0x50: {  	v45 =	vld [tilespmem:s16+$0x540]  }
0x51: {  	v49 =	vld [tilespmem:s16+$0x5C0]  }
0x52: {  	v5 =	vmul.f32 v5, v6;
	v6 =	vmul.f32 v8, v7;
	v7 =	vld [tilespmem:s16+$0x4540]  }
0x53: {  	v8 =	vmul.f32 v10, v9;
	v10 =	vld [tilespmem:s16+$0x550]  }
0x54: {  	v9 =	vmul.f32 v12, v11;
	v11 =	vmul.f32 v16, v15;
	v12 =	vld [tilespmem:s16+$0x4550]  }
0x55: {  	v51 =	vld [tilespmem:s16+$0x45C0];
	v50 =	vmul.f32 v40, v39;
	v5 =	vadd.f32 v6, v5;
	v6 =	vmul.f32 v14, v13  }
0x56: {  	v53 =	vld [tilespmem:s16+$0x5D0];
	v8 =	vadd.f32 v9, v8;
	v9 =	vmul.f32 v18, v17;
	v13 =	vmul.f32 v20, v19  }
0x57: {  	v52 =	vmul.f32 v44, v43;
	v14 =	vld [tilespmem:s16+$0x560];
	v20 =	vmul.f32 v24, v23;
	v6 =	vadd.f32 v11, v6  }
0x58: {  	v17 =	vld [tilespmem:s16+$0x4570];
	v9 =	vadd.f32 v13, v9;
	v15 =	vperm.xlane v5, v0;
	v16 =	vperm.xlane v8, v0  }
0x59: {  	v19 =	vld [tilespmem:s16+$0x580];
	v7 =	vmul.f32 v7, v45;
	v10 =	vmul.f32 v12, v10  }
0x5a: {  	v23 =	vld [tilespmem:s16+$0x590];
	v18 =	vperm.xlane v6, v0;
	v5 =	vadd.f32 v15, v5;
	v15 =	vperm.xlane v9, v0  }
0x5b: {  	v11 =	vld [tilespmem:s16+$0x4560];
	v8 =	vadd.f32 v16, v8;
	v16 =	vmul.f32 v22, v21;
	v22 =	vmul.f32 v28, v27  }
0x5c: {  	v13 =	vld [tilespmem:s16+$0x570];
	v27 =	vmul.f32 v30, v29;
	v28 =	vmul.f32 v32, v31  }
0x5d: {  	v24 =	vld [tilespmem:s16+$0x5B0];
	v30 =	vmul.f32 v34, v33;
	v31 =	vmul.f32 v36, v35  }
0x5e: {  	v12 =	vld [tilespmem:s16+$0x45F0];
	v7 =	vadd.f32 v10, v7;
	v10 =	vmul.f32 v51, v49;
	v6 =	vadd.f32 v18, v6  }
0x5f: {  	v21 =	vld [tilespmem:s16+$0x4580];
	v18 =	vmul.f32 v26, v25;
	v9 =	vadd.f32 v15, v9;
	v5 =	vsel vm3, v5, v8  }
0x60: {  	v29 =	vld [tilespmem:s16+$0x45B0];
	v8 =	vadd.f32 v20, v16;
	v20 =	vperm.xlane v5, v1;
	v11 =	vmul.f32 v11, v14  }
0x61: {  	v15 =	vld [tilespmem:s16+$0x4590];
	v13 =	vmul.f32 v17, v13;
	v16 =	vadd.f32 v22, v18;
	v6 =	vsel vm3, v6, v9  }
0x62: {  	v18 =	vld [tilespmem:s16+$0x5A0];
	v25 =	vperm.xlane v8, v0;
	v22 =	vperm.xlane v6, v1  }
0x63: {  	v9 =	vld [tilespmem:s16+$0x45A0];
	v5 =	vadd.f32 v20, v5;
	v20 =	vadd.f32 v28, v27;
	v26 =	vperm.xlane v16, v0  }
0x64: {  	v27 =	vadd.f32 v31, v30;
	v28 =	vld [tilespmem:s16+$0x45D0];
	v17 =	vmul.f32 v21, v19;
	v8 =	vadd.f32 v25, v8  }
0x65: {  	v31 =	vld [tilespmem:s16+$0x45E0];
	v25 =	vmul.f32 v38, v37;
	v16 =	vadd.f32 v26, v16;
	v26 =	vmul.f32 v42, v41  }
0x66: {  	v54 =	vperm.xlane v20, v0;
	v6 =	vadd.f32 v22, v6;
	v22 =	vld [tilespmem:s16+$0x5F0];
	v15 =	vmul.f32 v15, v23  }
0x67: {  	v8 =	vsel vm3, v8, v16;
	v16 =	vadd.f32 v50, v25;
	v25 =	vadd.f32 v52, v26;
	v26 =	vld [tilespmem:s16+$0x5E0]  }
0x68: {  	v11 =	vadd.f32 v13, v11;
	v55 =	vperm.xlane v27, v0;
	v20 =	vadd.f32 v54, v20  }
0x69: {  	v9 =	vmul.f32 v9, v18;
	v15 =	vadd.f32 v15, v17;
	v17 =	vperm.xlane v7, v0  }
0x6a: {  	v14 =	vadd.f32 v55, v27;
	v18 =	vmul.f32 v29, v24;
	v21 =	vmul.f32 v28, v53  }
0x6b: {  	v30 =	vperm.xlane v8, v1;
	v7 =	vadd.f32 v17, v7;
	v17 =	vperm.xlane v15, v0  }
0x6c: {  	v9 =	vadd.f32 v18, v9;
	v12 =	vmul.f32 v12, v22;
	v13 =	vmul.f32 v31, v26  }
0x6d: {  	v56 =	vperm.xlane v16, v0;
	v57 =	vperm.xlane v25, v0;
	v10 =	vadd.f32 v21, v10  }
0x6e: {  	v8 =	vadd.f32 v30, v8;
	v12 =	vadd.f32 v12, v13;
	v13 =	vperm.xlane v11, v0  }
0x6f: {  	v18 =	vperm.xlane v9, v0;
	v16 =	vadd.f32 v56, v16;
	v19 =	vadd.f32 v57, v25  }
0x70: {  	v11 =	vadd.f32 v13, v11;
	v13 =	vperm.xlane v10, v0;
	v21 =	vperm.xlane v12, v0  }
0x71: {  	v14 =	vsel vm3, v20, v14;
	v15 =	vadd.f32 v17, v15;
	v9 =	vadd.f32 v18, v9  }
0x72: {  	v16 =	vsel vm3, v16, v19;
	v10 =	vadd.f32 v13, v10;
	v12 =	vadd.f32 v21, v12  }
0x73: {  	v9 =	vsel vm3, v15, v9;
	v7 =	vsel vm3, v7, v11;
	v11 =	vperm.xlane v14, v1  }
0x74: {  	v13 =	vperm.xlane v16, v1;
	v10 =	vsel vm3, v10, v12;
	v12 =	vperm.xlane v7, v1  }
0x75: {  	v11 =	vadd.f32 v11, v14;
	v14 =	vperm.xlane v9, v1;
	v15 =	vperm.xlane v10, v1  }
0x76: {  	v13 =	vadd.f32 v13, v16;
	v7 =	vadd.f32 v12, v7  }
0x77: {  	v5 =	vsel vm0, v5, v6;
	v6 =	vadd.f32 v14, v9;
	v9 =	vadd.f32 v15, v10  }
0x78: {  	v8 =	vsel vm0, v8, v11;
	v10 =	vperm.xlane v5, v2  }
0x79: {  	v7 =	vsel vm0, v13, v7;
	v6 =	vsel vm0, v6, v9;
	v9 =	vperm.xlane v8, v2  }
0x7a: {  	v11 =	vperm.xlane v7, v2;
	v12 =	vperm.xlane v6, v2  }
0x7b: {  	v5 =	vadd.f32 v10, v5;
	v8 =	vadd.f32 v9, v8  }
0x7c: {  	v7 =	vadd.f32 v11, v7;
	v6 =	vadd.f32 v12, v6;
	_ =	sdelay $0x1  }
0x7d: {  	v5 =	vsel vm1, v5, v8;
	v6 =	vsel vm1, v7, v6  }
0x7e: {  	v7 =	vperm.xlane v5, v3;
	v8 =	vperm.xlane v6, v3;
	_ =	sdelay $0x1  }
0x7f: {  	v5 =	vadd.f32 v7, v5;
	v6 =	vadd.f32 v8, v6;
	_ =	sdelay $0x1  }
0x80: {  	v5 =	vsel vm2, v5, v6  }
0x81: {  	v5 =	vperm.xlane v5, v4;
	_ =	sdelay $0x1  }
0x82: {  	s17 =	simm.s32 $0x200;
	[tilespmem:s14+$0x0] =	vst v5  }
0x83: {  	v6 =	vld [tilespmem:s17+$0x4400]  }
0x84: {  	v7 =	vld [tilespmem:s17+$0x400]  }
0x85: {  	v8 =	vld [tilespmem:s17+$0x410]  }
0x86: {  	v9 =	vld [tilespmem:s17+$0x4410]  }
0x87: {  	v10 =	vld [tilespmem:s17+$0x420]  }
0x88: {  	v11 =	vld [tilespmem:s17+$0x4420]  }
0x89: {  	v12 =	vld [tilespmem:s17+$0x430]  }
0x8a: {  	v13 =	vld [tilespmem:s17+$0x4430]  }
0x8b: {  	v14 =	vld [tilespmem:s17+$0x440]  }
0x8c: {  	v15 =	vld [tilespmem:s17+$0x4440]  }
0x8d: {  	v16 =	vld [tilespmem:s17+$0x450]  }
0x8e: {  	v17 =	vld [tilespmem:s17+$0x4450]  }
0x8f: {  	v18 =	vld [tilespmem:s17+$0x460]  }
0x90: {  	v19 =	vld [tilespmem:s17+$0x4460]  }
0x91: {  	v20 =	vld [tilespmem:s17+$0x470]  }
0x92: {  	v21 =	vld [tilespmem:s17+$0x4470]  }
0x93: {  	v22 =	vld [tilespmem:s17+$0x480]  }
0x94: {  	v23 =	vld [tilespmem:s17+$0x4480]  }
0x95: {  	v24 =	vld [tilespmem:s17+$0x490]  }
0x96: {  	v25 =	vld [tilespmem:s17+$0x4490]  }
0x97: {  	v26 =	vld [tilespmem:s17+$0x4A0]  }
0x98: {  	v27 =	vld [tilespmem:s17+$0x44A0]  }
0x99: {  	v28 =	vld [tilespmem:s17+$0x4B0]  }
0x9a: {  	v29 =	vld [tilespmem:s17+$0x44B0]  }
0x9b: {  	v30 =	vld [tilespmem:s17+$0x4C0]  }
0x9c: {  	v31 =	vld [tilespmem:s17+$0x44C0]  }
0x9d: {  	v58 =	vld [tilespmem:s17+$0x4D0]  }
0x9e: {  	v59 =	vld [tilespmem:s17+$0x44D0]  }
0x9f: {  	v60 =	vld [tilespmem:s17+$0x4E0]  }
0xa0: {  	v61 =	vld [tilespmem:s17+$0x44E0]  }
0xa1: {  	v62 =	vld [tilespmem:s17+$0x4F0]  }
0xa2: {  	v63 =	vld [tilespmem:s17+$0x44F0]  }
0xa3: {  	v48 =	vld [tilespmem:s17+$0x500]  }
0xa4: {  	v49 =	vld [tilespmem:s17+$0x4500]  }
0xa5: {  	v50 =	vld [tilespmem:s17+$0x510]  }
0xa6: {  	v51 =	vld [tilespmem:s17+$0x4510]  }
0xa7: {  	v52 =	vld [tilespmem:s17+$0x520]  }
0xa8: {  	v53 =	vld [tilespmem:s17+$0x4520]  }
0xa9: {  	v54 =	vld [tilespmem:s17+$0x530]  }
0xaa: {  	v55 =	vld [tilespmem:s17+$0x4530]  }
0xab: {  	v5 =	vld [tilespmem:s17+$0x540]  }
0xac: {  	v46 =	vmul.f32 v6, v7;
	v8 =	vmul.f32 v9, v8;
	v6 =	vld [tilespmem:s17+$0x4540]  }
0xad: {  	v9 =	vmul.f32 v11, v10;
	v10 =	vmul.f32 v13, v12;
	v7 =	vld [tilespmem:s17+$0x550]  }
0xae: {  	v11 =	vadd.f32 v8, v46;
	v8 =	vld [tilespmem:s17+$0x4550]  }
0xaf: {  	v12 =	vmul.f32 v15, v14;
	v13 =	vmul.f32 v17, v16;
	v15 =	vadd.f32 v10, v9;
	v9 =	vld [tilespmem:s17+$0x560]  }
0xb0: {  	v14 =	vmul.f32 v19, v18;
	v10 =	vld [tilespmem:s17+$0x4560]  }
0xb1: {  	v16 =	vmul.f32 v21, v20;
	v22 =	vmul.f32 v23, v22;
	v17 =	vadd.f32 v13, v12;
	v12 =	vld [tilespmem:s17+$0x570]  }
0xb2: {  	v23 =	vmul.f32 v25, v24;
	v24 =	vmul.f32 v29, v28;
	v13 =	vld [tilespmem:s17+$0x4570]  }
0xb3: {  	v29 =	vmul.f32 v31, v30;
	v30 =	vmul.f32 v59, v58;
	v16 =	vadd.f32 v16, v14;
	v14 =	vld [tilespmem:s17+$0x580]  }
0xb4: {  	v25 =	vadd.f32 v23, v22;
	v22 =	vld [tilespmem:s17+$0x5B0];
	v20 =	vperm.xlane v17, v0  }
0xb5: {  	v31 =	vmul.f32 v61, v60;
	v57 =	vmul.f32 v63, v62;
	v23 =	vld [tilespmem:s17+$0x45B0];
	v34 =	vadd.f32 v30, v29  }
0xb6: {  	v29 =	vld [tilespmem:s17+$0x45E0];
	v19 =	vperm.xlane v15, v0;
	v17 =	vadd.f32 v20, v17;
	v20 =	vmul.f32 v27, v26  }
0xb7: {  	v32 =	vadd.f32 v57, v31;
	v31 =	vld [tilespmem:s17+$0x5F0];
	v18 =	vperm.xlane v11, v0  }
0xb8: {  	v21 =	vadd.f32 v19, v15;
	v19 =	vperm.xlane v16, v0;
	v15 =	vld [tilespmem:s17+$0x4580];
	v26 =	vadd.f32 v24, v20  }
0xb9: {  	v11 =	vadd.f32 v18, v11;
	v18 =	vld [tilespmem:s17+$0x590];
	v27 =	vperm.xlane v25, v0  }
0xba: {  	v59 =	vmul.f32 v49, v48;
	v16 =	vadd.f32 v19, v16;
	v19 =	vld [tilespmem:s17+$0x4590];
	v28 =	vperm.xlane v26, v0  }
0xbb: {  	v60 =	vmul.f32 v51, v50;
	v11 =	vsel vm3, v11, v21;
	v20 =	vld [tilespmem:s17+$0x5A0];
	v58 =	vadd.f32 v27, v25  }
0xbc: {  	v21 =	vld [tilespmem:s17+$0x45A0];
	v16 =	vsel vm3, v17, v16;
	v17 =	vperm.xlane v11, v1;
	v28 =	vadd.f32 v28, v26  }
0xbd: {  	v61 =	vmul.f32 v53, v52;
	v62 =	vmul.f32 v55, v54;
	v33 =	vadd.f32 v60, v59;
	v24 =	vld [tilespmem:s17+$0x5C0]  }
0xbe: {  	v38 =	vperm.xlane v34, v0;
	v25 =	vld [tilespmem:s17+$0x45C0];
	v11 =	vadd.f32 v17, v11;
	v17 =	vsel vm3, v58, v28  }
0xbf: {  	v30 =	vadd.f32 v62, v61;
	v27 =	vld [tilespmem:s17+$0x45D0];
	v56 =	vperm.xlane v16, v1;
	v63 =	vperm.xlane v17, v1  }
0xc0: {  	v36 =	vperm.xlane v32, v0;
	v37 =	vperm.xlane v33, v0;
	v26 =	vld [tilespmem:s17+$0x5D0]  }
0xc1: {  	s18 =	simm.s32 $0x1000;
	s16 =	simm.s32 $0x8400;
	v35 =	vperm.xlane v30, v0;
	v16 =	vadd.f32 v56, v16;
	v28 =	vld [tilespmem:s17+$0x5E0];
	v17 =	vadd.f32 v63, v17  }
.LBB2_2:
0xc2: {  	p0 =	sne.s32 s18, $0xF800;
	v5 =	vmul.f32 v6, v5;
	v6 =	vmul.f32 v8, v7;
	v7 =	vld [tilespmem:s17+$0x45F0];
	v8 =	vadd.f32 v38, v34  }
0xc3: {  	v9 =	vmul.f32 v10, v9;
	v10 =	vmul.f32 v13, v12;
	v12 =	vadd.f32 v36, v32  }
0xc4: {  	v13 =	vmul.f32 v15, v14;
	v14 =	vmul.f32 v19, v18;
	v15 =	vadd.f32 v37, v33  }
0xc5: {  	v18 =	vmul.f32 v21, v20;
	v19 =	vmul.f32 v23, v22;
	v20 =	vadd.f32 v35, v30  }
0xc6: {  	v21 =	vmul.f32 v27, v26;
	v5 =	vadd.f32 v6, v5;
	v6 =	vmul.f32 v25, v24  }
0xc7: {  	v9 =	vadd.f32 v10, v9;
	v10 =	vmul.f32 v29, v28;
	v7 =	vmul.f32 v7, v31  }
0xc8: {  	v13 =	vadd.f32 v14, v13;
	v14 =	vadd.f32 v19, v18;
	v18 =	vperm.xlane v5, v0  }
0xc9: {  	v6 =	vadd.f32 v21, v6;
	v7 =	vadd.f32 v7, v10;
	v10 =	vperm.xlane v9, v0  }
0xca: {  	v19 =	vperm.xlane v14, v0;
	v5 =	vadd.f32 v18, v5;
	v18 =	vperm.xlane v13, v0  }
0xcb: {  	v9 =	vadd.f32 v10, v9;
	v10 =	vperm.xlane v6, v0;
	v21 =	vperm.xlane v7, v0  }
0xcc: {  	v8 =	vsel vm3, v8, v12;
	v12 =	vadd.f32 v18, v13;
	v13 =	vadd.f32 v19, v14  }
0xcd: {  	v14 =	vsel vm3, v15, v20;
	v6 =	vadd.f32 v10, v6;
	v7 =	vadd.f32 v21, v7  }
0xce: {  	v5 =	vsel vm3, v5, v9;
	v9 =	vperm.xlane v8, v1;
	v10 =	vperm.xlane v14, v1  }
0xcf: {  	v12 =	vsel vm3, v12, v13;
	v6 =	vsel vm3, v6, v7;
	v7 =	vperm.xlane v5, v1  }
0xd0: {  	v8 =	vadd.f32 v9, v8;
	v9 =	vperm.xlane v12, v1;
	v13 =	vperm.xlane v6, v1  }
0xd1: {  	v10 =	vadd.f32 v10, v14;
	v5 =	vadd.f32 v7, v5  }
0xd2: {  	v7 =	vsel vm0, v11, v16;
	v9 =	vadd.f32 v9, v12;
	v6 =	vadd.f32 v13, v6  }
0xd3: {  	v8 =	vsel vm0, v17, v8;
	v11 =	vperm.xlane v7, v2  }
0xd4: {  	v5 =	vsel vm0, v10, v5;
	v6 =	vsel vm0, v9, v6;
	v9 =	vperm.xlane v8, v2  }
0xd5: {  	v10 =	vperm.xlane v5, v2;
	v12 =	vperm.xlane v6, v2  }
0xd6: {  	v7 =	vadd.f32 v11, v7;
	v8 =	vadd.f32 v9, v8  }
0xd7: {  	v5 =	vadd.f32 v10, v5;
	v6 =	vadd.f32 v12, v6;
	_ =	sdelay $0x1  }
0xd8: {  	v7 =	vsel vm1, v7, v8;
	v5 =	vsel vm1, v5, v6  }
0xd9: {  	v6 =	vperm.xlane v7, v3;
	v8 =	vperm.xlane v5, v3;
	_ =	sdelay $0x1  }
0xda: {  	v6 =	vadd.f32 v6, v7;
	v5 =	vadd.f32 v8, v5;
	_ =	sdelay $0x1  }
0xdb: {  	v5 =	vsel vm2, v6, v5  }
0xdc: {  	v5 =	vperm.xlane v5, v4  }
0xdd: {  	s16 =	sadd.s32 $0x10, s16  }
0xde: {  	s17 =	sshra.s32 s18, $0x2;
	[tilespmem:s16+$0x0] =	vst v5  }
0xdf: {  	v6 =	vld [tilespmem:s17+$0x4400]  }
0xe0: {  	v7 =	vld [tilespmem:s17+$0x400]  }
0xe1: {  	v8 =	vld [tilespmem:s17+$0x410]  }
0xe2: {  	v9 =	vld [tilespmem:s17+$0x4410]  }
0xe3: {  	v10 =	vld [tilespmem:s17+$0x420]  }
0xe4: {  	v11 =	vld [tilespmem:s17+$0x4420]  }
0xe5: {  	v12 =	vld [tilespmem:s17+$0x430]  }
0xe6: {  	v13 =	vld [tilespmem:s17+$0x4430]  }
0xe7: {  	v14 =	vld [tilespmem:s17+$0x440]  }
0xe8: {  	v15 =	vld [tilespmem:s17+$0x4440]  }
0xe9: {  	v16 =	vld [tilespmem:s17+$0x450]  }
0xea: {  	v17 =	vld [tilespmem:s17+$0x4450]  }
0xeb: {  	v18 =	vld [tilespmem:s17+$0x460]  }
0xec: {  	v19 =	vld [tilespmem:s17+$0x4460]  }
0xed: {  	v20 =	vld [tilespmem:s17+$0x470]  }
0xee: {  	v21 =	vld [tilespmem:s17+$0x4470]  }
0xef: {  	v22 =	vld [tilespmem:s17+$0x480]  }
0xf0: {  	v23 =	vld [tilespmem:s17+$0x4480]  }
0xf1: {  	v24 =	vld [tilespmem:s17+$0x490]  }
0xf2: {  	v25 =	vld [tilespmem:s17+$0x4490]  }
0xf3: {  	v26 =	vld [tilespmem:s17+$0x4A0]  }
0xf4: {  	v27 =	vld [tilespmem:s17+$0x44A0]  }
0xf5: {  	v28 =	vld [tilespmem:s17+$0x4B0]  }
0xf6: {  	v29 =	vld [tilespmem:s17+$0x44B0]  }
0xf7: {  	v30 =	vld [tilespmem:s17+$0x4C0]  }
0xf8: {  	v31 =	vld [tilespmem:s17+$0x44C0]  }
0xf9: {  	v32 =	vld [tilespmem:s17+$0x4D0]  }
0xfa: {  	v33 =	vld [tilespmem:s17+$0x44D0]  }
0xfb: {  	v34 =	vld [tilespmem:s17+$0x4E0]  }
0xfc: {  	v35 =	vld [tilespmem:s17+$0x44E0]  }
0xfd: {  	v36 =	vld [tilespmem:s17+$0x4F0]  }
0xfe: {  	v37 =	vld [tilespmem:s17+$0x44F0]  }
0xff: {  	v38 =	vld [tilespmem:s17+$0x500]  }
0x100: {  	v39 =	vld [tilespmem:s17+$0x4500]  }
0x101: {  	v40 =	vld [tilespmem:s17+$0x510]  }
0x102: {  	v41 =	vld [tilespmem:s17+$0x4510]  }
0x103: {  	v42 =	vld [tilespmem:s17+$0x520]  }
0x104: {  	v43 =	vld [tilespmem:s17+$0x4520]  }
0x105: {  	v44 =	vld [tilespmem:s17+$0x530]  }
0x106: {  	v45 =	vld [tilespmem:s17+$0x4530]  }
0x107: {  	v5 =	vld [tilespmem:s17+$0x540]  }
0x108: {  	v46 =	vmul.f32 v6, v7;
	v8 =	vmul.f32 v9, v8;
	v6 =	vld [tilespmem:s17+$0x4540]  }
0x109: {  	v9 =	vmul.f32 v11, v10;
	v10 =	vmul.f32 v13, v12;
	v7 =	vld [tilespmem:s17+$0x550]  }
0x10a: {  	v11 =	vadd.f32 v8, v46;
	v12 =	vmul.f32 v15, v14;
	v13 =	vmul.f32 v17, v16;
	v8 =	vld [tilespmem:s17+$0x4550]  }
0x10b: {  	v15 =	vadd.f32 v10, v9;
	v14 =	vmul.f32 v19, v18;
	v16 =	vmul.f32 v21, v20;
	v9 =	vld [tilespmem:s17+$0x560]  }
0x10c: {  	v17 =	vadd.f32 v13, v12;
	v10 =	vld [tilespmem:s17+$0x4560]  }
0x10d: {  	v18 =	vperm.xlane v11, v0;
	v19 =	vperm.xlane v15, v0;
	v16 =	vadd.f32 v16, v14;
	v12 =	vld [tilespmem:s17+$0x570]  }
0x10e: {  	v20 =	vperm.xlane v17, v0;
	v13 =	vld [tilespmem:s17+$0x4570]  }
0x10f: {  	v11 =	vadd.f32 v18, v11;
	v21 =	vadd.f32 v19, v15;
	v19 =	vperm.xlane v16, v0;
	v14 =	vld [tilespmem:s17+$0x580]  }
0x110: {  	v22 =	vmul.f32 v23, v22;
	v17 =	vadd.f32 v20, v17;
	v23 =	vmul.f32 v25, v24;
	v15 =	vld [tilespmem:s17+$0x4580]  }
0x111: {  	v20 =	vmul.f32 v27, v26;
	v16 =	vadd.f32 v19, v16;
	v24 =	vmul.f32 v29, v28;
	v18 =	vld [tilespmem:s17+$0x590]  }
0x112: {  	v11 =	vsel vm3, v11, v21;
	v19 =	vld [tilespmem:s17+$0x4590]  }
0x113: {  	v25 =	vadd.f32 v23, v22;
	v16 =	vsel vm3, v17, v16;
	v26 =	vadd.f32 v24, v20;
	v20 =	vld [tilespmem:s17+$0x5A0]  }
0x114: {  	v17 =	vperm.xlane v11, v1;
	v46 =	vperm.xlane v16, v1;
	v21 =	vld [tilespmem:s17+$0x45A0]  }
0x115: {  	v27 =	vperm.xlane v25, v0;
	v28 =	vperm.xlane v26, v0;
	v22 =	vld [tilespmem:s17+$0x5B0]  }
0x116: {  	v29 =	vmul.f32 v31, v30;
	v30 =	vmul.f32 v33, v32;
	v23 =	vld [tilespmem:s17+$0x45B0]  }
0x117: {  	v33 =	vadd.f32 v27, v25;
	v31 =	vmul.f32 v35, v34;
	v32 =	vmul.f32 v37, v36;
	v24 =	vld [tilespmem:s17+$0x5C0]  }
0x118: {  	v28 =	vadd.f32 v28, v26;
	v35 =	vmul.f32 v39, v38;
	v36 =	vmul.f32 v41, v40;
	v25 =	vld [tilespmem:s17+$0x45C0]  }
.Ltmp0:
0x119: {  	v11 =	vadd.f32 v17, v11;
	v37 =	vmul.f32 v43, v42;
	v38 =	vmul.f32 v45, v44;
	v26 =	vld [tilespmem:s17+$0x5D0];
	(pc) =	sbr.rel @p0 .LBB2_2-.Ltmp0, $4  }
0x11a: {  	v34 =	vadd.f32 v30, v29;
	v17 =	vsel vm3, v33, v28;
	v32 =	vadd.f32 v32, v31;
	v27 =	vld [tilespmem:s17+$0x45D0]  }
0x11b: {  	v39 =	vperm.xlane v17, v1;
	v33 =	vadd.f32 v36, v35;
	v30 =	vadd.f32 v38, v37;
	v28 =	vld [tilespmem:s17+$0x5E0]  }
0x11c: {  	v16 =	vadd.f32 v46, v16;
	v36 =	vperm.xlane v32, v0;
	v38 =	vperm.xlane v34, v0;
	v29 =	vld [tilespmem:s17+$0x45E0]  }
0x11d: {  	s18 =	sadd.s32 $0x800, s18;
	v17 =	vadd.f32 v39, v17;
	v37 =	vperm.xlane v33, v0;
	v35 =	vperm.xlane v30, v0;
	v31 =	vld [tilespmem:s17+$0x5F0]  }
0x11e: {  	v5 =	vmul.f32 v6, v5  }
0x11f: {  	v6 =	vmul.f32 v8, v7;
	v7 =	vld [tilespmem:s17+$0x45F0];
	v9 =	vmul.f32 v10, v9  }
0x120: {  	v34 =	vadd.f32 v38, v34;
	v38 =	vmul.f32 v13, v12;
	v40 =	vmul.f32 v15, v14  }
0x121: {  	v39 =	vadd.f32 v36, v32;
	v41 =	vmul.f32 v19, v18;
	v43 =	vmul.f32 v21, v20  }
0x122: {  	v44 =	vmul.f32 v23, v22;
	v42 =	vadd.f32 v37, v33;
	v45 =	vadd.f32 v35, v30  }
0x123: {  	v46 =	vmul.f32 v27, v26;
	v5 =	vadd.f32 v6, v5;
	v6 =	vmul.f32 v25, v24  }
0x124: {  	v9 =	vadd.f32 v38, v9;
	v47 =	vmul.f32 v29, v28;
	v7 =	vmul.f32 v7, v31  }
0x125: {  	v13 =	vadd.f32 v41, v40;
	v48 =	vadd.f32 v44, v43;
	v49 =	vperm.xlane v5, v0  }
0x126: {  	v6 =	vadd.f32 v46, v6;
	v50 =	vperm.xlane v9, v0;
	v7 =	vadd.f32 v7, v47  }
0x127: {  	v51 =	vperm.xlane v13, v0;
	v19 =	vperm.xlane v48, v0;
	v5 =	vadd.f32 v49, v5  }
0x128: {  	v9 =	vadd.f32 v50, v9;
	v52 =	vperm.xlane v6, v0;
	v53 =	vperm.xlane v7, v0  }
0x129: {  	v8 =	vsel vm3, v34, v39;
	v54 =	vadd.f32 v51, v13;
	v55 =	vadd.f32 v19, v48  }
0x12a: {  	v56 =	vsel vm3, v42, v45;
	v6 =	vadd.f32 v52, v6;
	v7 =	vadd.f32 v53, v7  }
0x12b: {  	v57 =	vperm.xlane v8, v1;
	v58 =	vperm.xlane v56, v1;
	v12 =	vsel vm3, v54, v55  }
0x12c: {  	v5 =	vsel vm3, v5, v9;
	v59 =	vperm.xlane v12, v1;
	v6 =	vsel vm3, v6, v7  }
0x12d: {  	v8 =	vadd.f32 v57, v8;
	v7 =	vperm.xlane v5, v1;
	v60 =	vperm.xlane v6, v1  }
0x12e: {  	v10 =	vadd.f32 v58, v56;
	v9 =	vadd.f32 v59, v12  }
0x12f: {  	v8 =	vsel vm0, v17, v8;
	v5 =	vadd.f32 v7, v5;
	v6 =	vadd.f32 v60, v6  }
0x130: {  	v61 =	vperm.xlane v8, v2;
	v7 =	vsel vm0, v11, v16  }
0x131: {  	v11 =	vperm.xlane v7, v2;
	v5 =	vsel vm0, v10, v5;
	v6 =	vsel vm0, v9, v6  }
0x132: {  	v10 =	vperm.xlane v5, v2;
	v62 =	vperm.xlane v6, v2  }
0x133: {  	v8 =	vadd.f32 v61, v8;
	v7 =	vadd.f32 v11, v7  }
0x134: {  	v5 =	vadd.f32 v10, v5;
	v6 =	vadd.f32 v62, v6;
	_ =	sdelay $0x1  }
0x135: {  	v7 =	vsel vm1, v7, v8;
	v5 =	vsel vm1, v5, v6  }
0x136: {  	v6 =	vperm.xlane v7, v3;
	v63 =	vperm.xlane v5, v3;
	_ =	sdelay $0x1  }
0x137: {  	v6 =	vadd.f32 v6, v7;
	v5 =	vadd.f32 v63, v5;
	_ =	sdelay $0x1  }
0x138: {  	v5 =	vsel vm2, v6, v5  }
0x139: {  	s15 =	sadd.s32 $0x1, s15;
	v5 =	vperm.xlane v5, v4  }
0x13a: {  	s16 =	sadd.s32 $0x10, s16;
	p0 =	sne.s32 s15, s8  }
.Ltmp1:
0x13b: {  	[tilespmem:s16+$0x0] =	vst v5;
	(pc) =	sbr.rel @p0 .LBB2_1-.Ltmp1, $4  }
0x13c: {  	[hbm4b:s7+s1] =	stream.linear.scatter [tilespmem:s14], [sflag:$0x2], $0x200, $0x38;
	[tilespmem:$0x8600] =	vst v63  }
0x13d: {  	_ =	swait.ge [sflag:s9], $0x200  }
0x13e: {  	[sflag:s9] =	ssyncset.done $0x0  }
0x13f: {  	[sflag:s9] =	ssyncadd.s32 $0xFFFFFE00  }
0x140: {  	_ =	sfence.sel $0x180000  }
0x141: {  	[bflag:$0x0] =	sbarrier.arrive $0xFFFF  }
0x142: {  	p0 =	sne.s32 s2, $0x0;
	_ =	strace $0x90000047  }
0x143: {  	s0 =	sadd.s32 @!p0 $0x100000, s0;
	[bflag:$0x2] =	sbarrier.arrive $0xFFFF  }
0x144: {  	[sflag:s0] =	ssyncadd.tile.s32 @!p0 $0x1;
	_ =	shalt  }
.Lfunc_end2:
_tile_overlayer_lowered:
.L_overlay_start_2:
0x145: {  	(tag) =	ssettag $0x2  }
0x146: {  	s0 =	rddreg [dreg:$0x0];
	s2 =	stileid.u32  }
0x147: {  	s1 =	rddreg [dreg:$0x1];
	p0 =	sne.s32 s2, $0x0  }
0x148: {  	s3 =	rddreg [dreg:$0x2];
	[bflag:$0x3] =	sbarrier.arrive $0xFFFF;
	s2 =	simm.s32 @!p0 $0x1C02  }
0x149: {  	[timem:s3], [sflag:s2] =	dma.local @!p0 [hbm:s0], s1  }
0x14a: {  	s0 =	simm.s32 @!p0 $0x2  }
0x14b: {  	_ =	swait.ge @!p0 [sflag:s0], s1  }
0x14c: {  	s1 =	ssub.s32 @!p0 $0x0, s1;
	[sflag:s0] =	ssyncset.done @!p0 $0x0  }
0x14d: {  	[sflag:s0] =	ssyncadd.s32 @!p0 s1  }
0x14e: {  	[bflag:$0x3] =	sbarrier.arrive $0xFFFF  }
0x14f: {  	_ =	shalt  }

</sc_bundles>
